<compile_context>
chip_gen: v7x
topology: tpu7x:2x2x1
jax: 0.10.2.dev20260603
libtpu: 0.0.44.dev20260713+nightly
codegen_flags: <defaults>
</compile_context>

<pallas_src>
import functools

import jax
import jax.numpy as jnp
from jax import lax
from jax.experimental import pallas as pl
from jax.experimental.pallas import tpu as pltpu
from jax.experimental.pallas import tpu_sc as plsc

NC = 2
NS = 16
L = 16
NW = NC * NS

D = 64
CHUNK = 64
NBUF = 4


def kernel(t, emb):
    A, B, Dp = t.shape
    assert Dp == D
    V, De = emb.shape
    assert De == D
    R = A * B
    assert R % NW == 0
    rows_per_w = R // NW
    assert rows_per_w % (CHUNK * NBUF) == 0
    n_chunks = rows_per_w // CHUNK
    n_groups = n_chunks // NBUF

    t2 = t.reshape(R, D)
    mesh = plsc.VectorSubcoreMesh(core_axis_name="c", subcore_axis_name="s")

    @functools.partial(
        pl.kernel,
        mesh=mesh,
        compiler_params=pltpu.CompilerParams(
            use_tc_tiling_on_sc=False, needs_layout_passes=False
        ),
        out_type=jax.ShapeDtypeStruct((R, 2 * D), jnp.float32),
        scratch_types=[
            pltpu.VMEM((V, D), jnp.float32),
            pltpu.VMEM((NBUF, CHUNK, D), jnp.float32),
            pltpu.VMEM((NBUF, CHUNK, 2 * D), jnp.float32),
            pltpu.SemaphoreType.DMA,
        ]
        + [pltpu.SemaphoreType.DMA] * (2 * NBUF),
    )
    def body(t_hbm, emb_hbm, out_hbm, embl, tbuf, stage, esem, *sems):
        isem = sems[0:NBUF]
        osem = sems[NBUF:2 * NBUF]

        wid = lax.axis_index("s") * NC + lax.axis_index("c")
        wbase = wid * rows_per_w

        def in_copy(ci, b):
            return pltpu.make_async_copy(
                t_hbm.at[pl.ds(wbase + ci * CHUNK, CHUNK)], tbuf.at[b],
                isem[b],
            )

        def out_copy(ci, b):
            return pltpu.make_async_copy(
                stage.at[b], out_hbm.at[pl.ds(wbase + ci * CHUNK, CHUNK)],
                osem[b],
            )

        emb_load = pltpu.make_async_copy(emb_hbm, embl, esem)
        emb_load.start()
        in_copy(0, 0).start()
        in_copy(1, 1).start()
        emb_load.wait()

        lane = lax.iota(jnp.int32, L)
        col2 = jnp.full((L,), 2, jnp.int32)

        def assemble(b):
            def row_body(r, c2):
                rvec = jnp.full((L,), r, jnp.int32)
                vals = plsc.load_gather(tbuf.at[b], [rvec, col2])
                idxv = jnp.minimum(
                    jnp.maximum(vals.astype(jnp.int32), 0), V - 1
                )
                for q in range(D // L):
                    stage[b, r, pl.ds(q * L, L)] = tbuf[b, r, pl.ds(q * L, L)]
                    stage[b, r, pl.ds(D + q * L, L)] = plsc.load_gather(
                        embl, [idxv, lane + q * L]
                    )
                return c2

            lax.fori_loop(0, CHUNK, row_body, 0)

        def group_body(g, carry):
            for b in range(NBUF):
                ci = g * NBUF + b

                in_copy(ci, b).wait()

                @pl.when(ci >= NBUF)
                def _():
                    out_copy(ci - NBUF, b).wait()

                assemble(b)
                out_copy(ci, b).start()

                @pl.when(ci + 2 < n_chunks)
                def _():
                    in_copy(ci + 2, (b + 2) % NBUF).start()
            return carry

        lax.fori_loop(0, n_groups, group_body, 0)

        for k in range(NBUF):
            c = n_chunks - NBUF + k
            out_copy(c, c % NBUF).wait()

    out2 = body(t2, emb)
    return out2.reshape(A, B, 2 * D)

# --- scband reference (transcript-rebuilt; emitter-appended) ---
"""Pipeline reference for scband-embed-band-87471303950344 (READ-ONLY COPY).

The authoritative reference and input builder live on the scoring server;
editing this copy changes nothing except your own understanding.
"""

import jax, jax.numpy as jnp
import numpy as np


def setup_inputs(seed: int = 0) -> dict:
    key = jax.random.key(seed)
    k1, k2 = jax.random.split(key)
    t = jax.random.uniform(k1, (4096, 200, 64), dtype=jnp.float32)
    emb = jax.random.normal(k2, (1000, 64), dtype=jnp.float32)
    return {"t": t, "emb": emb}


def reference(t, emb):
    # EmbedBand.forward: cat((t, embedding(t[..., i].to(int))), -1) with i=2
    idx = t[..., 2].astype(jnp.int32)
    e = jnp.take(emb, idx, axis=0)
    return jnp.concatenate([t, e], axis=-1)

if __name__ == "__main__":
    import jax
    _d = setup_inputs()
    print(jax.jit(kernel)(*tuple(_d.values())))

</pallas_src>

<mosaic_0001>
#map = affine_map<(d0, d1) -> (0, 0)>
module attributes {stable_mosaic.version = 14 : i64} {
  func.func @body(%arg0: i32, %arg1: i32, %arg2: memref<819200x64xf32, #tpu.memory_space<hbm>>, %arg3: memref<1000x64xf32, #tpu.memory_space<hbm>>, %arg4: memref<819200x128xf32, #tpu.memory_space<hbm>>, %arg5: memref<1000x64xf32, #tpu.memory_space<vmem>>, %arg6: memref<4x64x64xf32, #tpu.memory_space<vmem>>, %arg7: memref<4x64x128xf32, #tpu.memory_space<vmem>>, %arg8: memref<!tpu.dma_semaphore, #tpu.memory_space<semaphore_mem>>, %arg9: memref<!tpu.dma_semaphore, #tpu.memory_space<semaphore_mem>>, %arg10: memref<!tpu.dma_semaphore, #tpu.memory_space<semaphore_mem>>, %arg11: memref<!tpu.dma_semaphore, #tpu.memory_space<semaphore_mem>>, %arg12: memref<!tpu.dma_semaphore, #tpu.memory_space<semaphore_mem>>, %arg13: memref<!tpu.dma_semaphore, #tpu.memory_space<semaphore_mem>>, %arg14: memref<!tpu.dma_semaphore, #tpu.memory_space<semaphore_mem>>, %arg15: memref<!tpu.dma_semaphore, #tpu.memory_space<semaphore_mem>>, %arg16: memref<!tpu.dma_semaphore, #tpu.memory_space<semaphore_mem>>) attributes {dimension_semantics = [#tpu.dimension_semantics<core_parallel>, #tpu.dimension_semantics<subcore_parallel>], iteration_bounds = array<i64: 2, 16>, scalar_prefetch = 0 : i64, scratch_operands = 12 : i64, tpu.core_type = #tpu.core_type<sc_vector_subcore>, window_params = [{transform_indices = #map}, {transform_indices = #map}, {transform_indices = #map}]} {
    %mul3A = arith.constant 2 : i32
    %mul3A_0 = arith.muli %arg1, %mul3A : i32
    %add3A = arith.addi %mul3A_0, %arg0 : i32
    %mul3A_1 = arith.constant 25600 : i32
    %mul3A_2 = arith.muli %add3A, %mul3A_1 : i32
    tpu.enqueue_dma source(%arg3 : memref<1000x64xf32, #tpu.memory_space<hbm>>) target(%arg5 : memref<1000x64xf32, #tpu.memory_space<vmem>>) target_semaphore(%arg8 : memref<!tpu.dma_semaphore, #tpu.memory_space<semaphore_mem>>)
    %add3A_3 = arith.constant 0 : i32
    %add3A_4 = arith.addi %mul3A_2, %add3A_3 : i32
    %dma_start3A = arith.constant 0 : i32
    %dma_start3A_5 = arith.constant 0 : i32
    %dma_start3A_6 = arith.constant 0 : i32
    %dma_start3A_7 = tpu.memref_slice %arg6[%dma_start3A, %dma_start3A_5, %dma_start3A_6] : memref<4x64x64xf32, #tpu.memory_space<vmem>> -> memref<1x64x64xf32, #tpu.memory_space<vmem>>
    %dma_start3A_8 = tpu.memref_squeeze %dma_start3A_7 : memref<1x64x64xf32, #tpu.memory_space<vmem>> -> memref<64x64xf32, #tpu.memory_space<vmem>>
    %dma_start3A_9 = arith.constant 0 : i32
    %dma_start3A_10 = tpu.memref_slice %arg2[%add3A_4, %dma_start3A_9] : memref<819200x64xf32, #tpu.memory_space<hbm>> -> memref<64x64xf32, #tpu.memory_space<hbm>>
    %dma_start3A_11 = arith.constant 0 : i32
    %dma_start3A_12 = arith.constant 0 : i32
    %dma_start3A_13 = tpu.memref_slice %arg6[%dma_start3A, %dma_start3A_11, %dma_start3A_12] : memref<4x64x64xf32, #tpu.memory_space<vmem>> -> memref<1x64x64xf32, #tpu.memory_space<vmem>>
    %dma_start3A_14 = tpu.memref_squeeze %dma_start3A_13 : memref<1x64x64xf32, #tpu.memory_space<vmem>> -> memref<64x64xf32, #tpu.memory_space<vmem>>
    %dma_start3A_15 = arith.constant 0 : i32
    %dma_start3A_16 = tpu.memref_slice %arg2[%add3A_4, %dma_start3A_15] : memref<819200x64xf32, #tpu.memory_space<hbm>> -> memref<64x64xf32, #tpu.memory_space<hbm>>
    tpu.enqueue_dma source(%dma_start3A_16 : memref<64x64xf32, #tpu.memory_space<hbm>>) target(%dma_start3A_14 : memref<64x64xf32, #tpu.memory_space<vmem>>) target_semaphore(%arg9 : memref<!tpu.dma_semaphore, #tpu.memory_space<semaphore_mem>>)
    %add3A_17 = arith.constant 64 : i32
    %add3A_18 = arith.addi %mul3A_2, %add3A_17 : i32
    %dma_start3A_19 = arith.constant 1 : i32
    %dma_start3A_20 = arith.constant 0 : i32
    %dma_start3A_21 = arith.constant 0 : i32
    %dma_start3A_22 = tpu.memref_slice %arg6[%dma_start3A_19, %dma_start3A_20, %dma_start3A_21] : memref<4x64x64xf32, #tpu.memory_space<vmem>> -> memref<1x64x64xf32, #tpu.memory_space<vmem>>
    %dma_start3A_23 = tpu.memref_squeeze %dma_start3A_22 : memref<1x64x64xf32, #tpu.memory_space<vmem>> -> memref<64x64xf32, #tpu.memory_space<vmem>>
    %dma_start3A_24 = arith.constant 0 : i32
    %dma_start3A_25 = tpu.memref_slice %arg2[%add3A_18, %dma_start3A_24] : memref<819200x64xf32, #tpu.memory_space<hbm>> -> memref<64x64xf32, #tpu.memory_space<hbm>>
    %dma_start3A_26 = arith.constant 0 : i32
    %dma_start3A_27 = arith.constant 0 : i32
    %dma_start3A_28 = tpu.memref_slice %arg6[%dma_start3A_19, %dma_start3A_26, %dma_start3A_27] : memref<4x64x64xf32, #tpu.memory_space<vmem>> -> memref<1x64x64xf32, #tpu.memory_space<vmem>>
    %dma_start3A_29 = tpu.memref_squeeze %dma_start3A_28 : memref<1x64x64xf32, #tpu.memory_space<vmem>> -> memref<64x64xf32, #tpu.memory_space<vmem>>
    %dma_start3A_30 = arith.constant 0 : i32
    %dma_start3A_31 = tpu.memref_slice %arg2[%add3A_18, %dma_start3A_30] : memref<819200x64xf32, #tpu.memory_space<hbm>> -> memref<64x64xf32, #tpu.memory_space<hbm>>
    tpu.enqueue_dma source(%dma_start3A_31 : memref<64x64xf32, #tpu.memory_space<hbm>>) target(%dma_start3A_29 : memref<64x64xf32, #tpu.memory_space<vmem>>) target_semaphore(%arg10 : memref<!tpu.dma_semaphore, #tpu.memory_space<semaphore_mem>>)
    tpu.wait_dma2 semaphore(%arg8 : memref<!tpu.dma_semaphore, #tpu.memory_space<semaphore_mem>>) src(%arg3 : memref<1000x64xf32, #tpu.memory_space<hbm>>) dst(%arg5 : memref<1000x64xf32, #tpu.memory_space<vmem>>)
    %iota3A = tpu.iota {dimensions = array<i32: 0>} : vector<16xi32>
    %broadcast_in_dim3A = arith.constant 2 : i32
    %broadcast_in_dim3A_32 = vector.broadcast %broadcast_in_dim3A : i32 to vector<16xi32>
    %scan3A = arith.constant 0 : i32
    %scan3A_33 = arith.constant 0 : i32
    %scan3A_34 = arith.constant 100 : i32
    %scan3A_35 = arith.addi %scan3A_33, %scan3A_34 : i32
    %scan3A_36 = arith.constant 1 : i32
    scf.for %scan3A_97 = %scan3A_33 to %scan3A_35 step %scan3A_36  : i32 {
      %mul3A_98 = arith.constant 4 : i32
      %mul3A_99 = arith.muli %scan3A_97, %mul3A_98 : i32
      %add3A_100 = arith.constant 0 : i32
      %add3A_101 = arith.addi %mul3A_99, %add3A_100 : i32
      %mul3A_102 = arith.constant 64 : i32
      %mul3A_103 = arith.muli %add3A_101, %mul3A_102 : i32
      %add3A_104 = arith.addi %mul3A_2, %mul3A_103 : i32
      %dma_wait3A_105 = arith.constant 0 : i32
      %dma_wait3A_106 = arith.constant 0 : i32
      %dma_wait3A_107 = arith.constant 0 : i32
      %dma_wait3A_108 = tpu.memref_slice %arg6[%dma_wait3A_105, %dma_wait3A_106, %dma_wait3A_107] : memref<4x64x64xf32, #tpu.memory_space<vmem>> -> memref<1x64x64xf32, #tpu.memory_space<vmem>>
      %dma_wait3A_109 = tpu.memref_squeeze %dma_wait3A_108 : memref<1x64x64xf32, #tpu.memory_space<vmem>> -> memref<64x64xf32, #tpu.memory_space<vmem>>
      %dma_wait3A_110 = arith.constant 0 : i32
      %dma_wait3A_111 = tpu.memref_slice %arg2[%add3A_104, %dma_wait3A_110] : memref<819200x64xf32, #tpu.memory_space<hbm>> -> memref<64x64xf32, #tpu.memory_space<hbm>>
      %dma_wait3A_112 = arith.constant 0 : i32
      %dma_wait3A_113 = arith.constant 0 : i32
      %dma_wait3A_114 = tpu.memref_slice %arg6[%dma_wait3A_105, %dma_wait3A_112, %dma_wait3A_113] : memref<4x64x64xf32, #tpu.memory_space<vmem>> -> memref<1x64x64xf32, #tpu.memory_space<vmem>>
      %dma_wait3A_115 = tpu.memref_squeeze %dma_wait3A_114 : memref<1x64x64xf32, #tpu.memory_space<vmem>> -> memref<64x64xf32, #tpu.memory_space<vmem>>
      %dma_wait3A_116 = arith.constant 0 : i32
      %dma_wait3A_117 = tpu.memref_slice %arg2[%add3A_104, %dma_wait3A_116] : memref<819200x64xf32, #tpu.memory_space<hbm>> -> memref<64x64xf32, #tpu.memory_space<hbm>>
      tpu.wait_dma2 semaphore(%arg9 : memref<!tpu.dma_semaphore, #tpu.memory_space<semaphore_mem>>) src(%dma_wait3A_117 : memref<64x64xf32, #tpu.memory_space<hbm>>) dst(%dma_wait3A_115 : memref<64x64xf32, #tpu.memory_space<vmem>>)
      %ge3A = arith.constant 4 : i32
      %ge3A_118 = arith.cmpi sge, %add3A_101, %ge3A : i32
      %convert_element_type3A = arith.extui %ge3A_118 : i1 to i32
      %cond3A = arith.constant 0 : i32
      %cond3A_119 = arith.cmpi ne, %convert_element_type3A, %cond3A : i32
      scf.if %cond3A_119 {
        %sub3A = arith.constant 4 : i32
        %sub3A_310 = arith.subi %add3A_101, %sub3A : i32
        %mul3A_311 = arith.constant 64 : i32
        %mul3A_312 = arith.muli %sub3A_310, %mul3A_311 : i32
        %add3A_313 = arith.addi %mul3A_2, %mul3A_312 : i32
        %dma_wait3A_314 = arith.constant 0 : i32
        %dma_wait3A_315 = arith.constant 0 : i32
        %dma_wait3A_316 = arith.constant 0 : i32
        %dma_wait3A_317 = tpu.memref_slice %arg7[%dma_wait3A_314, %dma_wait3A_315, %dma_wait3A_316] : memref<4x64x128xf32, #tpu.memory_space<vmem>> -> memref<1x64x128xf32, #tpu.memory_space<vmem>>
        %dma_wait3A_318 = tpu.memref_squeeze %dma_wait3A_317 : memref<1x64x128xf32, #tpu.memory_space<vmem>> -> memref<64x128xf32, #tpu.memory_space<vmem>>
        %dma_wait3A_319 = arith.constant 0 : i32
        %dma_wait3A_320 = tpu.memref_slice %arg4[%add3A_313, %dma_wait3A_319] : memref<819200x128xf32, #tpu.memory_space<hbm>> -> memref<64x128xf32, #tpu.memory_space<hbm>>
        %dma_wait3A_321 = arith.constant 0 : i32
        %dma_wait3A_322 = tpu.memref_slice %arg4[%add3A_313, %dma_wait3A_321] : memref<819200x128xf32, #tpu.memory_space<hbm>> -> memref<64x128xf32, #tpu.memory_space<hbm>>
        %dma_wait3A_323 = arith.constant 0 : i32
        %dma_wait3A_324 = arith.constant 0 : i32
        %dma_wait3A_325 = tpu.memref_slice %arg7[%dma_wait3A_314, %dma_wait3A_323, %dma_wait3A_324] : memref<4x64x128xf32, #tpu.memory_space<vmem>> -> memref<1x64x128xf32, #tpu.memory_space<vmem>>
        %dma_wait3A_326 = tpu.memref_squeeze %dma_wait3A_325 : memref<1x64x128xf32, #tpu.memory_space<vmem>> -> memref<64x128xf32, #tpu.memory_space<vmem>>
        tpu.wait_dma2 semaphore(%arg13 : memref<!tpu.dma_semaphore, #tpu.memory_space<semaphore_mem>>) src(%dma_wait3A_326 : memref<64x128xf32, #tpu.memory_space<vmem>>) dst(%dma_wait3A_322 : memref<64x128xf32, #tpu.memory_space<hbm>>)
      } else {
      }
      %scan3A_120 = arith.constant 0 : i32
      %scan3A_121 = arith.constant 0 : i32
      %scan3A_122 = arith.constant 64 : i32
      %scan3A_123 = arith.addi %scan3A_121, %scan3A_122 : i32
      %scan3A_124 = arith.constant 1 : i32
      scf.for %scan3A_310 = %scan3A_121 to %scan3A_123 step %scan3A_124  : i32 {
        %broadcast_in_dim3A_311 = vector.broadcast %scan3A_310 : i32 to vector<16xi32>
        %gather3A = arith.constant 0 : i32
        %gather3A_312 = arith.constant 0 : i32
        %gather3A_313 = arith.constant 0 : i32
        %gather3A_314 = tpu.memref_slice %arg6[%gather3A, %gather3A_312, %gather3A_313] : memref<4x64x64xf32, #tpu.memory_space<vmem>> -> memref<1x64x64xf32, #tpu.memory_space<vmem>>
        %gather3A_315 = tpu.memref_squeeze %gather3A_314 : memref<1x64x64xf32, #tpu.memory_space<vmem>> -> memref<64x64xf32, #tpu.memory_space<vmem>>
        %gather3A_316 = tpu.vector_load_idx %gather3A_315[%broadcast_in_dim3A_311, %broadcast_in_dim3A_32] : memref<64x64xf32, #tpu.memory_space<vmem>>[vector<16xi32>, vector<16xi32>], vector<16xf32>,
        %convert_element_type3A_317 = arith.fptosi %gather3A_316 : vector<16xf32> to vector<16xi32>
        %max3A = arith.constant 0 : i32
        %max3A_318 = vector.broadcast %max3A : i32 to vector<16xi32>
        %max3A_319 = arith.maxsi %convert_element_type3A_317, %max3A_318 : vector<16xi32>
        %min3A = arith.constant 999 : i32
        %min3A_320 = vector.broadcast %min3A : i32 to vector<16xi32>
        %min3A_321 = arith.minsi %max3A_319, %min3A_320 : vector<16xi32>
        %get3A = arith.constant 0 : i32
        %get3A_322 = arith.index_cast %get3A : i32 to index
        %get3A_323 = arith.index_cast %scan3A_310 : i32 to index
        %get3A_324 = arith.constant 0 : index
        %get3A_325 = tpu.vector_load %arg6[%get3A_322, %get3A_323, %get3A_324] {strides = array<i32>} : memref<4x64x64xf32, #tpu.memory_space<vmem>>, vector<16xf32>,
        %swap3A = arith.constant 0 : i32
        %swap3A_326 = arith.index_cast %swap3A : i32 to index
        %swap3A_327 = arith.index_cast %scan3A_310 : i32 to index
        %swap3A_328 = arith.constant 0 : index
        %swap3A_329 = tpu.vector_load %arg7[%swap3A_326, %swap3A_327, %swap3A_328] {strides = array<i32>} : memref<4x64x128xf32, #tpu.memory_space<vmem>>, vector<16xf32>,
        tpu.vector_store %arg7[%swap3A_326, %swap3A_327, %swap3A_328], %get3A_325 {strides = array<i32>} : memref<4x64x128xf32, #tpu.memory_space<vmem>>, vector<16xf32>,
        %add3A_330 = arith.constant 0 : i32
        %add3A_331 = vector.broadcast %add3A_330 : i32 to vector<16xi32>
        %add3A_332 = arith.addi %iota3A, %add3A_331 : vector<16xi32>
        %gather3A_333 = tpu.vector_load_idx %arg5[%min3A_321, %add3A_332] : memref<1000x64xf32, #tpu.memory_space<vmem>>[vector<16xi32>, vector<16xi32>], vector<16xf32>,
        %swap3A_334 = arith.constant 0 : i32
        %swap3A_335 = arith.index_cast %swap3A_334 : i32 to index
        %swap3A_336 = arith.index_cast %scan3A_310 : i32 to index
        %swap3A_337 = arith.constant 64 : index
        %swap3A_338 = tpu.vector_load %arg7[%swap3A_335, %swap3A_336, %swap3A_337] {strides = array<i32>} : memref<4x64x128xf32, #tpu.memory_space<vmem>>, vector<16xf32>,
        tpu.vector_store %arg7[%swap3A_335, %swap3A_336, %swap3A_337], %gather3A_333 {strides = array<i32>} : memref<4x64x128xf32, #tpu.memory_space<vmem>>, vector<16xf32>,
        %get3A_339 = arith.constant 0 : i32
        %get3A_340 = arith.index_cast %get3A_339 : i32 to index
        %get3A_341 = arith.index_cast %scan3A_310 : i32 to index
        %get3A_342 = arith.constant 16 : index
        %get3A_343 = tpu.vector_load %arg6[%get3A_340, %get3A_341, %get3A_342] {strides = array<i32>} : memref<4x64x64xf32, #tpu.memory_space<vmem>>, vector<16xf32>,
        %swap3A_344 = arith.constant 0 : i32
        %swap3A_345 = arith.index_cast %swap3A_344 : i32 to index
        %swap3A_346 = arith.index_cast %scan3A_310 : i32 to index
        %swap3A_347 = arith.constant 16 : index
        %swap3A_348 = tpu.vector_load %arg7[%swap3A_345, %swap3A_346, %swap3A_347] {strides = array<i32>} : memref<4x64x128xf32, #tpu.memory_space<vmem>>, vector<16xf32>,
        tpu.vector_store %arg7[%swap3A_345, %swap3A_346, %swap3A_347], %get3A_343 {strides = array<i32>} : memref<4x64x128xf32, #tpu.memory_space<vmem>>, vector<16xf32>,
        %add3A_349 = arith.constant 16 : i32
        %add3A_350 = vector.broadcast %add3A_349 : i32 to vector<16xi32>
        %add3A_351 = arith.addi %iota3A, %add3A_350 : vector<16xi32>
        %gather3A_352 = tpu.vector_load_idx %arg5[%min3A_321, %add3A_351] : memref<1000x64xf32, #tpu.memory_space<vmem>>[vector<16xi32>, vector<16xi32>], vector<16xf32>,
        %swap3A_353 = arith.constant 0 : i32
        %swap3A_354 = arith.index_cast %swap3A_353 : i32 to index
        %swap3A_355 = arith.index_cast %scan3A_310 : i32 to index
        %swap3A_356 = arith.constant 80 : index
        %swap3A_357 = tpu.vector_load %arg7[%swap3A_354, %swap3A_355, %swap3A_356] {strides = array<i32>} : memref<4x64x128xf32, #tpu.memory_space<vmem>>, vector<16xf32>,
        tpu.vector_store %arg7[%swap3A_354, %swap3A_355, %swap3A_356], %gather3A_352 {strides = array<i32>} : memref<4x64x128xf32, #tpu.memory_space<vmem>>, vector<16xf32>,
        %get3A_358 = arith.constant 0 : i32
        %get3A_359 = arith.index_cast %get3A_358 : i32 to index
        %get3A_360 = arith.index_cast %scan3A_310 : i32 to index
        %get3A_361 = arith.constant 32 : index
        %get3A_362 = tpu.vector_load %arg6[%get3A_359, %get3A_360, %get3A_361] {strides = array<i32>} : memref<4x64x64xf32, #tpu.memory_space<vmem>>, vector<16xf32>,
        %swap3A_363 = arith.constant 0 : i32
        %swap3A_364 = arith.index_cast %swap3A_363 : i32 to index
        %swap3A_365 = arith.index_cast %scan3A_310 : i32 to index
        %swap3A_366 = arith.constant 32 : index
        %swap3A_367 = tpu.vector_load %arg7[%swap3A_364, %swap3A_365, %swap3A_366] {strides = array<i32>} : memref<4x64x128xf32, #tpu.memory_space<vmem>>, vector<16xf32>,
        tpu.vector_store %arg7[%swap3A_364, %swap3A_365, %swap3A_366], %get3A_362 {strides = array<i32>} : memref<4x64x128xf32, #tpu.memory_space<vmem>>, vector<16xf32>,
        %add3A_368 = arith.constant 32 : i32
        %add3A_369 = vector.broadcast %add3A_368 : i32 to vector<16xi32>
        %add3A_370 = arith.addi %iota3A, %add3A_369 : vector<16xi32>
        %gather3A_371 = tpu.vector_load_idx %arg5[%min3A_321, %add3A_370] : memref<1000x64xf32, #tpu.memory_space<vmem>>[vector<16xi32>, vector<16xi32>], vector<16xf32>,
        %swap3A_372 = arith.constant 0 : i32
        %swap3A_373 = arith.index_cast %swap3A_372 : i32 to index
        %swap3A_374 = arith.index_cast %scan3A_310 : i32 to index
        %swap3A_375 = arith.constant 96 : index
        %swap3A_376 = tpu.vector_load %arg7[%swap3A_373, %swap3A_374, %swap3A_375] {strides = array<i32>} : memref<4x64x128xf32, #tpu.memory_space<vmem>>, vector<16xf32>,
        tpu.vector_store %arg7[%swap3A_373, %swap3A_374, %swap3A_375], %gather3A_371 {strides = array<i32>} : memref<4x64x128xf32, #tpu.memory_space<vmem>>, vector<16xf32>,
        %get3A_377 = arith.constant 0 : i32
        %get3A_378 = arith.index_cast %get3A_377 : i32 to index
        %get3A_379 = arith.index_cast %scan3A_310 : i32 to index
        %get3A_380 = arith.constant 48 : index
        %get3A_381 = tpu.vector_load %arg6[%get3A_378, %get3A_379, %get3A_380] {strides = array<i32>} : memref<4x64x64xf32, #tpu.memory_space<vmem>>, vector<16xf32>,
        %swap3A_382 = arith.constant 0 : i32
        %swap3A_383 = arith.index_cast %swap3A_382 : i32 to index
        %swap3A_384 = arith.index_cast %scan3A_310 : i32 to index
        %swap3A_385 = arith.constant 48 : index
        %swap3A_386 = tpu.vector_load %arg7[%swap3A_383, %swap3A_384, %swap3A_385] {strides = array<i32>} : memref<4x64x128xf32, #tpu.memory_space<vmem>>, vector<16xf32>,
        tpu.vector_store %arg7[%swap3A_383, %swap3A_384, %swap3A_385], %get3A_381 {strides = array<i32>} : memref<4x64x128xf32, #tpu.memory_space<vmem>>, vector<16xf32>,
        %add3A_387 = arith.constant 48 : i32
        %add3A_388 = vector.broadcast %add3A_387 : i32 to vector<16xi32>
        %add3A_389 = arith.addi %iota3A, %add3A_388 : vector<16xi32>
        %gather3A_390 = tpu.vector_load_idx %arg5[%min3A_321, %add3A_389] : memref<1000x64xf32, #tpu.memory_space<vmem>>[vector<16xi32>, vector<16xi32>], vector<16xf32>,
        %swap3A_391 = arith.constant 0 : i32
        %swap3A_392 = arith.index_cast %swap3A_391 : i32 to index
        %swap3A_393 = arith.index_cast %scan3A_310 : i32 to index
        %swap3A_394 = arith.constant 112 : index
        %swap3A_395 = tpu.vector_load %arg7[%swap3A_392, %swap3A_393, %swap3A_394] {strides = array<i32>} : memref<4x64x128xf32, #tpu.memory_space<vmem>>, vector<16xf32>,
        tpu.vector_store %arg7[%swap3A_392, %swap3A_393, %swap3A_394], %gather3A_390 {strides = array<i32>} : memref<4x64x128xf32, #tpu.memory_space<vmem>>, vector<16xf32>,
      }
      %scan3A_125 = arith.constant 64 : i32
      %mul3A_126 = arith.constant 64 : i32
      %mul3A_127 = arith.muli %add3A_101, %mul3A_126 : i32
      %add3A_128 = arith.addi %mul3A_2, %mul3A_127 : i32
      %dma_start3A_129 = arith.constant 0 : i32
      %dma_start3A_130 = arith.constant 0 : i32
      %dma_start3A_131 = arith.constant 0 : i32
      %dma_start3A_132 = tpu.memref_slice %arg7[%dma_start3A_129, %dma_start3A_130, %dma_start3A_131] : memref<4x64x128xf32, #tpu.memory_space<vmem>> -> memref<1x64x128xf32, #tpu.memory_space<vmem>>
      %dma_start3A_133 = tpu.memref_squeeze %dma_start3A_132 : memref<1x64x128xf32, #tpu.memory_space<vmem>> -> memref<64x128xf32, #tpu.memory_space<vmem>>
      %dma_start3A_134 = arith.constant 0 : i32
      %dma_start3A_135 = tpu.memref_slice %arg4[%add3A_128, %dma_start3A_134] : memref<819200x128xf32, #tpu.memory_space<hbm>> -> memref<64x128xf32, #tpu.memory_space<hbm>>
      %dma_start3A_136 = arith.constant 0 : i32
      %dma_start3A_137 = tpu.memref_slice %arg4[%add3A_128, %dma_start3A_136] : memref<819200x128xf32, #tpu.memory_space<hbm>> -> memref<64x128xf32, #tpu.memory_space<hbm>>
      %dma_start3A_138 = arith.constant 0 : i32
      %dma_start3A_139 = arith.constant 0 : i32
      %dma_start3A_140 = tpu.memref_slice %arg7[%dma_start3A_129, %dma_start3A_138, %dma_start3A_139] : memref<4x64x128xf32, #tpu.memory_space<vmem>> -> memref<1x64x128xf32, #tpu.memory_space<vmem>>
      %dma_start3A_141 = tpu.memref_squeeze %dma_start3A_140 : memref<1x64x128xf32, #tpu.memory_space<vmem>> -> memref<64x128xf32, #tpu.memory_space<vmem>>
      tpu.enqueue_dma source(%dma_start3A_141 : memref<64x128xf32, #tpu.memory_space<vmem>>) target(%dma_start3A_137 : memref<64x128xf32, #tpu.memory_space<hbm>>) target_semaphore(%arg13 : memref<!tpu.dma_semaphore, #tpu.memory_space<semaphore_mem>>)
      %add3A_142 = arith.constant 2 : i32
      %add3A_143 = arith.addi %add3A_101, %add3A_142 : i32
      %lt3A = arith.constant 400 : i32
      %lt3A_144 = arith.cmpi slt, %add3A_143, %lt3A : i32
      %convert_element_type3A_145 = arith.extui %lt3A_144 : i1 to i32
      %cond3A_146 = arith.constant 0 : i32
      %cond3A_147 = arith.cmpi ne, %convert_element_type3A_145, %cond3A_146 : i32
      scf.if %cond3A_147 {
        %add3A_310 = arith.constant 2 : i32
        %add3A_311 = arith.addi %add3A_101, %add3A_310 : i32
        %mul3A_312 = arith.constant 64 : i32
        %mul3A_313 = arith.muli %add3A_311, %mul3A_312 : i32
        %add3A_314 = arith.addi %mul3A_2, %mul3A_313 : i32
        %dma_start3A_315 = arith.constant 2 : i32
        %dma_start3A_316 = arith.constant 0 : i32
        %dma_start3A_317 = arith.constant 0 : i32
        %dma_start3A_318 = tpu.memref_slice %arg6[%dma_start3A_315, %dma_start3A_316, %dma_start3A_317] : memref<4x64x64xf32, #tpu.memory_space<vmem>> -> memref<1x64x64xf32, #tpu.memory_space<vmem>>
        %dma_start3A_319 = tpu.memref_squeeze %dma_start3A_318 : memref<1x64x64xf32, #tpu.memory_space<vmem>> -> memref<64x64xf32, #tpu.memory_space<vmem>>
        %dma_start3A_320 = arith.constant 0 : i32
        %dma_start3A_321 = tpu.memref_slice %arg2[%add3A_314, %dma_start3A_320] : memref<819200x64xf32, #tpu.memory_space<hbm>> -> memref<64x64xf32, #tpu.memory_space<hbm>>
        %dma_start3A_322 = arith.constant 0 : i32
        %dma_start3A_323 = arith.constant 0 : i32
        %dma_start3A_324 = tpu.memref_slice %arg6[%dma_start3A_315, %dma_start3A_322, %dma_start3A_323] : memref<4x64x64xf32, #tpu.memory_space<vmem>> -> memref<1x64x64xf32, #tpu.memory_space<vmem>>
        %dma_start3A_325 = tpu.memref_squeeze %dma_start3A_324 : memref<1x64x64xf32, #tpu.memory_space<vmem>> -> memref<64x64xf32, #tpu.memory_space<vmem>>
        %dma_start3A_326 = arith.constant 0 : i32
        %dma_start3A_327 = tpu.memref_slice %arg2[%add3A_314, %dma_start3A_326] : memref<819200x64xf32, #tpu.memory_space<hbm>> -> memref<64x64xf32, #tpu.memory_space<hbm>>
        tpu.enqueue_dma source(%dma_start3A_327 : memref<64x64xf32, #tpu.memory_space<hbm>>) target(%dma_start3A_325 : memref<64x64xf32, #tpu.memory_space<vmem>>) target_semaphore(%arg11 : memref<!tpu.dma_semaphore, #tpu.memory_space<semaphore_mem>>)
      } else {
      }
      %mul3A_148 = arith.constant 4 : i32
      %mul3A_149 = arith.muli %scan3A_97, %mul3A_148 : i32
      %add3A_150 = arith.constant 1 : i32
      %add3A_151 = arith.addi %mul3A_149, %add3A_150 : i32
      %mul3A_152 = arith.constant 64 : i32
      %mul3A_153 = arith.muli %add3A_151, %mul3A_152 : i32
      %add3A_154 = arith.addi %mul3A_2, %mul3A_153 : i32
      %dma_wait3A_155 = arith.constant 1 : i32
      %dma_wait3A_156 = arith.constant 0 : i32
      %dma_wait3A_157 = arith.constant 0 : i32
      %dma_wait3A_158 = tpu.memref_slice %arg6[%dma_wait3A_155, %dma_wait3A_156, %dma_wait3A_157] : memref<4x64x64xf32, #tpu.memory_space<vmem>> -> memref<1x64x64xf32, #tpu.memory_space<vmem>>
      %dma_wait3A_159 = tpu.memref_squeeze %dma_wait3A_158 : memref<1x64x64xf32, #tpu.memory_space<vmem>> -> memref<64x64xf32, #tpu.memory_space<vmem>>
      %dma_wait3A_160 = arith.constant 0 : i32
      %dma_wait3A_161 = tpu.memref_slice %arg2[%add3A_154, %dma_wait3A_160] : memref<819200x64xf32, #tpu.memory_space<hbm>> -> memref<64x64xf32, #tpu.memory_space<hbm>>
      %dma_wait3A_162 = arith.constant 0 : i32
      %dma_wait3A_163 = arith.constant 0 : i32
      %dma_wait3A_164 = tpu.memref_slice %arg6[%dma_wait3A_155, %dma_wait3A_162, %dma_wait3A_163] : memref<4x64x64xf32, #tpu.memory_space<vmem>> -> memref<1x64x64xf32, #tpu.memory_space<vmem>>
      %dma_wait3A_165 = tpu.memref_squeeze %dma_wait3A_164 : memref<1x64x64xf32, #tpu.memory_space<vmem>> -> memref<64x64xf32, #tpu.memory_space<vmem>>
      %dma_wait3A_166 = arith.constant 0 : i32
      %dma_wait3A_167 = tpu.memref_slice %arg2[%add3A_154, %dma_wait3A_166] : memref<819200x64xf32, #tpu.memory_space<hbm>> -> memref<64x64xf32, #tpu.memory_space<hbm>>
      tpu.wait_dma2 semaphore(%arg10 : memref<!tpu.dma_semaphore, #tpu.memory_space<semaphore_mem>>) src(%dma_wait3A_167 : memref<64x64xf32, #tpu.memory_space<hbm>>) dst(%dma_wait3A_165 : memref<64x64xf32, #tpu.memory_space<vmem>>)
      %ge3A_168 = arith.constant 4 : i32
      %ge3A_169 = arith.cmpi sge, %add3A_151, %ge3A_168 : i32
      %convert_element_type3A_170 = arith.extui %ge3A_169 : i1 to i32
      %cond3A_171 = arith.constant 0 : i32
      %cond3A_172 = arith.cmpi ne, %convert_element_type3A_170, %cond3A_171 : i32
      scf.if %cond3A_172 {
        %sub3A = arith.constant 4 : i32
        %sub3A_310 = arith.subi %add3A_151, %sub3A : i32
        %mul3A_311 = arith.constant 64 : i32
        %mul3A_312 = arith.muli %sub3A_310, %mul3A_311 : i32
        %add3A_313 = arith.addi %mul3A_2, %mul3A_312 : i32
        %dma_wait3A_314 = arith.constant 1 : i32
        %dma_wait3A_315 = arith.constant 0 : i32
        %dma_wait3A_316 = arith.constant 0 : i32
        %dma_wait3A_317 = tpu.memref_slice %arg7[%dma_wait3A_314, %dma_wait3A_315, %dma_wait3A_316] : memref<4x64x128xf32, #tpu.memory_space<vmem>> -> memref<1x64x128xf32, #tpu.memory_space<vmem>>
        %dma_wait3A_318 = tpu.memref_squeeze %dma_wait3A_317 : memref<1x64x128xf32, #tpu.memory_space<vmem>> -> memref<64x128xf32, #tpu.memory_space<vmem>>
        %dma_wait3A_319 = arith.constant 0 : i32
        %dma_wait3A_320 = tpu.memref_slice %arg4[%add3A_313, %dma_wait3A_319] : memref<819200x128xf32, #tpu.memory_space<hbm>> -> memref<64x128xf32, #tpu.memory_space<hbm>>
        %dma_wait3A_321 = arith.constant 0 : i32
        %dma_wait3A_322 = tpu.memref_slice %arg4[%add3A_313, %dma_wait3A_321] : memref<819200x128xf32, #tpu.memory_space<hbm>> -> memref<64x128xf32, #tpu.memory_space<hbm>>
        %dma_wait3A_323 = arith.constant 0 : i32
        %dma_wait3A_324 = arith.constant 0 : i32
        %dma_wait3A_325 = tpu.memref_slice %arg7[%dma_wait3A_314, %dma_wait3A_323, %dma_wait3A_324] : memref<4x64x128xf32, #tpu.memory_space<vmem>> -> memref<1x64x128xf32, #tpu.memory_space<vmem>>
        %dma_wait3A_326 = tpu.memref_squeeze %dma_wait3A_325 : memref<1x64x128xf32, #tpu.memory_space<vmem>> -> memref<64x128xf32, #tpu.memory_space<vmem>>
        tpu.wait_dma2 semaphore(%arg14 : memref<!tpu.dma_semaphore, #tpu.memory_space<semaphore_mem>>) src(%dma_wait3A_326 : memref<64x128xf32, #tpu.memory_space<vmem>>) dst(%dma_wait3A_322 : memref<64x128xf32, #tpu.memory_space<hbm>>)
      } else {
      }
      %scan3A_173 = arith.constant 0 : i32
      %scan3A_174 = arith.constant 0 : i32
      %scan3A_175 = arith.constant 64 : i32
      %scan3A_176 = arith.addi %scan3A_174, %scan3A_175 : i32
      %scan3A_177 = arith.constant 1 : i32
      scf.for %scan3A_310 = %scan3A_174 to %scan3A_176 step %scan3A_177  : i32 {
        %broadcast_in_dim3A_311 = vector.broadcast %scan3A_310 : i32 to vector<16xi32>
        %gather3A = arith.constant 1 : i32
        %gather3A_312 = arith.constant 0 : i32
        %gather3A_313 = arith.constant 0 : i32
        %gather3A_314 = tpu.memref_slice %arg6[%gather3A, %gather3A_312, %gather3A_313] : memref<4x64x64xf32, #tpu.memory_space<vmem>> -> memref<1x64x64xf32, #tpu.memory_space<vmem>>
        %gather3A_315 = tpu.memref_squeeze %gather3A_314 : memref<1x64x64xf32, #tpu.memory_space<vmem>> -> memref<64x64xf32, #tpu.memory_space<vmem>>
        %gather3A_316 = tpu.vector_load_idx %gather3A_315[%broadcast_in_dim3A_311, %broadcast_in_dim3A_32] : memref<64x64xf32, #tpu.memory_space<vmem>>[vector<16xi32>, vector<16xi32>], vector<16xf32>,
        %convert_element_type3A_317 = arith.fptosi %gather3A_316 : vector<16xf32> to vector<16xi32>
        %max3A = arith.constant 0 : i32
        %max3A_318 = vector.broadcast %max3A : i32 to vector<16xi32>
        %max3A_319 = arith.maxsi %convert_element_type3A_317, %max3A_318 : vector<16xi32>
        %min3A = arith.constant 999 : i32
        %min3A_320 = vector.broadcast %min3A : i32 to vector<16xi32>
        %min3A_321 = arith.minsi %max3A_319, %min3A_320 : vector<16xi32>
        %get3A = arith.constant 1 : i32
        %get3A_322 = arith.index_cast %get3A : i32 to index
        %get3A_323 = arith.index_cast %scan3A_310 : i32 to index
        %get3A_324 = arith.constant 0 : index
        %get3A_325 = tpu.vector_load %arg6[%get3A_322, %get3A_323, %get3A_324] {strides = array<i32>} : memref<4x64x64xf32, #tpu.memory_space<vmem>>, vector<16xf32>,
        %swap3A = arith.constant 1 : i32
        %swap3A_326 = arith.index_cast %swap3A : i32 to index
        %swap3A_327 = arith.index_cast %scan3A_310 : i32 to index
        %swap3A_328 = arith.constant 0 : index
        %swap3A_329 = tpu.vector_load %arg7[%swap3A_326, %swap3A_327, %swap3A_328] {strides = array<i32>} : memref<4x64x128xf32, #tpu.memory_space<vmem>>, vector<16xf32>,
        tpu.vector_store %arg7[%swap3A_326, %swap3A_327, %swap3A_328], %get3A_325 {strides = array<i32>} : memref<4x64x128xf32, #tpu.memory_space<vmem>>, vector<16xf32>,
        %add3A_330 = arith.constant 0 : i32
        %add3A_331 = vector.broadcast %add3A_330 : i32 to vector<16xi32>
        %add3A_332 = arith.addi %iota3A, %add3A_331 : vector<16xi32>
        %gather3A_333 = tpu.vector_load_idx %arg5[%min3A_321, %add3A_332] : memref<1000x64xf32, #tpu.memory_space<vmem>>[vector<16xi32>, vector<16xi32>], vector<16xf32>,
        %swap3A_334 = arith.constant 1 : i32
        %swap3A_335 = arith.index_cast %swap3A_334 : i32 to index
        %swap3A_336 = arith.index_cast %scan3A_310 : i32 to index
        %swap3A_337 = arith.constant 64 : index
        %swap3A_338 = tpu.vector_load %arg7[%swap3A_335, %swap3A_336, %swap3A_337] {strides = array<i32>} : memref<4x64x128xf32, #tpu.memory_space<vmem>>, vector<16xf32>,
        tpu.vector_store %arg7[%swap3A_335, %swap3A_336, %swap3A_337], %gather3A_333 {strides = array<i32>} : memref<4x64x128xf32, #tpu.memory_space<vmem>>, vector<16xf32>,
        %get3A_339 = arith.constant 1 : i32
        %get3A_340 = arith.index_cast %get3A_339 : i32 to index
        %get3A_341 = arith.index_cast %scan3A_310 : i32 to index
        %get3A_342 = arith.constant 16 : index
        %get3A_343 = tpu.vector_load %arg6[%get3A_340, %get3A_341, %get3A_342] {strides = array<i32>} : memref<4x64x64xf32, #tpu.memory_space<vmem>>, vector<16xf32>,
        %swap3A_344 = arith.constant 1 : i32
        %swap3A_345 = arith.index_cast %swap3A_344 : i32 to index
        %swap3A_346 = arith.index_cast %scan3A_310 : i32 to index
        %swap3A_347 = arith.constant 16 : index
        %swap3A_348 = tpu.vector_load %arg7[%swap3A_345, %swap3A_346, %swap3A_347] {strides = array<i32>} : memref<4x64x128xf32, #tpu.memory_space<vmem>>, vector<16xf32>,
        tpu.vector_store %arg7[%swap3A_345, %swap3A_346, %swap3A_347], %get3A_343 {strides = array<i32>} : memref<4x64x128xf32, #tpu.memory_space<vmem>>, vector<16xf32>,
        %add3A_349 = arith.constant 16 : i32
        %add3A_350 = vector.broadcast %add3A_349 : i32 to vector<16xi32>
        %add3A_351 = arith.addi %iota3A, %add3A_350 : vector<16xi32>
        %gather3A_352 = tpu.vector_load_idx %arg5[%min3A_321, %add3A_351] : memref<1000x64xf32, #tpu.memory_space<vmem>>[vector<16xi32>, vector<16xi32>], vector<16xf32>,
        %swap3A_353 = arith.constant 1 : i32
        %swap3A_354 = arith.index_cast %swap3A_353 : i32 to index
        %swap3A_355 = arith.index_cast %scan3A_310 : i32 to index
        %swap3A_356 = arith.constant 80 : index
        %swap3A_357 = tpu.vector_load %arg7[%swap3A_354, %swap3A_355, %swap3A_356] {strides = array<i32>} : memref<4x64x128xf32, #tpu.memory_space<vmem>>, vector<16xf32>,
        tpu.vector_store %arg7[%swap3A_354, %swap3A_355, %swap3A_356], %gather3A_352 {strides = array<i32>} : memref<4x64x128xf32, #tpu.memory_space<vmem>>, vector<16xf32>,
        %get3A_358 = arith.constant 1 : i32
        %get3A_359 = arith.index_cast %get3A_358 : i32 to index
        %get3A_360 = arith.index_cast %scan3A_310 : i32 to index
        %get3A_361 = arith.constant 32 : index
        %get3A_362 = tpu.vector_load %arg6[%get3A_359, %get3A_360, %get3A_361] {strides = array<i32>} : memref<4x64x64xf32, #tpu.memory_space<vmem>>, vector<16xf32>,
        %swap3A_363 = arith.constant 1 : i32
        %swap3A_364 = arith.index_cast %swap3A_363 : i32 to index
        %swap3A_365 = arith.index_cast %scan3A_310 : i32 to index
        %swap3A_366 = arith.constant 32 : index
        %swap3A_367 = tpu.vector_load %arg7[%swap3A_364, %swap3A_365, %swap3A_366] {strides = array<i32>} : memref<4x64x128xf32, #tpu.memory_space<vmem>>, vector<16xf32>,
        tpu.vector_store %arg7[%swap3A_364, %swap3A_365, %swap3A_366], %get3A_362 {strides = array<i32>} : memref<4x64x128xf32, #tpu.memory_space<vmem>>, vector<16xf32>,
        %add3A_368 = arith.constant 32 : i32
        %add3A_369 = vector.broadcast %add3A_368 : i32 to vector<16xi32>
        %add3A_370 = arith.addi %iota3A, %add3A_369 : vector<16xi32>
        %gather3A_371 = tpu.vector_load_idx %arg5[%min3A_321, %add3A_370] : memref<1000x64xf32, #tpu.memory_space<vmem>>[vector<16xi32>, vector<16xi32>], vector<16xf32>,
        %swap3A_372 = arith.constant 1 : i32
        %swap3A_373 = arith.index_cast %swap3A_372 : i32 to index
        %swap3A_374 = arith.index_cast %scan3A_310 : i32 to index
        %swap3A_375 = arith.constant 96 : index
        %swap3A_376 = tpu.vector_load %arg7[%swap3A_373, %swap3A_374, %swap3A_375] {strides = array<i32>} : memref<4x64x128xf32, #tpu.memory_space<vmem>>, vector<16xf32>,
        tpu.vector_store %arg7[%swap3A_373, %swap3A_374, %swap3A_375], %gather3A_371 {strides = array<i32>} : memref<4x64x128xf32, #tpu.memory_space<vmem>>, vector<16xf32>,
        %get3A_377 = arith.constant 1 : i32
        %get3A_378 = arith.index_cast %get3A_377 : i32 to index
        %get3A_379 = arith.index_cast %scan3A_310 : i32 to index
        %get3A_380 = arith.constant 48 : index
        %get3A_381 = tpu.vector_load %arg6[%get3A_378, %get3A_379, %get3A_380] {strides = array<i32>} : memref<4x64x64xf32, #tpu.memory_space<vmem>>, vector<16xf32>,
        %swap3A_382 = arith.constant 1 : i32
        %swap3A_383 = arith.index_cast %swap3A_382 : i32 to index
        %swap3A_384 = arith.index_cast %scan3A_310 : i32 to index
        %swap3A_385 = arith.constant 48 : index
        %swap3A_386 = tpu.vector_load %arg7[%swap3A_383, %swap3A_384, %swap3A_385] {strides = array<i32>} : memref<4x64x128xf32, #tpu.memory_space<vmem>>, vector<16xf32>,
        tpu.vector_store %arg7[%swap3A_383, %swap3A_384, %swap3A_385], %get3A_381 {strides = array<i32>} : memref<4x64x128xf32, #tpu.memory_space<vmem>>, vector<16xf32>,
        %add3A_387 = arith.constant 48 : i32
        %add3A_388 = vector.broadcast %add3A_387 : i32 to vector<16xi32>
        %add3A_389 = arith.addi %iota3A, %add3A_388 : vector<16xi32>
        %gather3A_390 = tpu.vector_load_idx %arg5[%min3A_321, %add3A_389] : memref<1000x64xf32, #tpu.memory_space<vmem>>[vector<16xi32>, vector<16xi32>], vector<16xf32>,
        %swap3A_391 = arith.constant 1 : i32
        %swap3A_392 = arith.index_cast %swap3A_391 : i32 to index
        %swap3A_393 = arith.index_cast %scan3A_310 : i32 to index
        %swap3A_394 = arith.constant 112 : index
        %swap3A_395 = tpu.vector_load %arg7[%swap3A_392, %swap3A_393, %swap3A_394] {strides = array<i32>} : memref<4x64x128xf32, #tpu.memory_space<vmem>>, vector<16xf32>,
        tpu.vector_store %arg7[%swap3A_392, %swap3A_393, %swap3A_394], %gather3A_390 {strides = array<i32>} : memref<4x64x128xf32, #tpu.memory_space<vmem>>, vector<16xf32>,
      }
      %scan3A_178 = arith.constant 64 : i32
      %mul3A_179 = arith.constant 64 : i32
      %mul3A_180 = arith.muli %add3A_151, %mul3A_179 : i32
      %add3A_181 = arith.addi %mul3A_2, %mul3A_180 : i32
      %dma_start3A_182 = arith.constant 1 : i32
      %dma_start3A_183 = arith.constant 0 : i32
      %dma_start3A_184 = arith.constant 0 : i32
      %dma_start3A_185 = tpu.memref_slice %arg7[%dma_start3A_182, %dma_start3A_183, %dma_start3A_184] : memref<4x64x128xf32, #tpu.memory_space<vmem>> -> memref<1x64x128xf32, #tpu.memory_space<vmem>>
      %dma_start3A_186 = tpu.memref_squeeze %dma_start3A_185 : memref<1x64x128xf32, #tpu.memory_space<vmem>> -> memref<64x128xf32, #tpu.memory_space<vmem>>
      %dma_start3A_187 = arith.constant 0 : i32
      %dma_start3A_188 = tpu.memref_slice %arg4[%add3A_181, %dma_start3A_187] : memref<819200x128xf32, #tpu.memory_space<hbm>> -> memref<64x128xf32, #tpu.memory_space<hbm>>
      %dma_start3A_189 = arith.constant 0 : i32
      %dma_start3A_190 = tpu.memref_slice %arg4[%add3A_181, %dma_start3A_189] : memref<819200x128xf32, #tpu.memory_space<hbm>> -> memref<64x128xf32, #tpu.memory_space<hbm>>
      %dma_start3A_191 = arith.constant 0 : i32
      %dma_start3A_192 = arith.constant 0 : i32
      %dma_start3A_193 = tpu.memref_slice %arg7[%dma_start3A_182, %dma_start3A_191, %dma_start3A_192] : memref<4x64x128xf32, #tpu.memory_space<vmem>> -> memref<1x64x128xf32, #tpu.memory_space<vmem>>
      %dma_start3A_194 = tpu.memref_squeeze %dma_start3A_193 : memref<1x64x128xf32, #tpu.memory_space<vmem>> -> memref<64x128xf32, #tpu.memory_space<vmem>>
      tpu.enqueue_dma source(%dma_start3A_194 : memref<64x128xf32, #tpu.memory_space<vmem>>) target(%dma_start3A_190 : memref<64x128xf32, #tpu.memory_space<hbm>>) target_semaphore(%arg14 : memref<!tpu.dma_semaphore, #tpu.memory_space<semaphore_mem>>)
      %add3A_195 = arith.constant 2 : i32
      %add3A_196 = arith.addi %add3A_151, %add3A_195 : i32
      %lt3A_197 = arith.constant 400 : i32
      %lt3A_198 = arith.cmpi slt, %add3A_196, %lt3A_197 : i32
      %convert_element_type3A_199 = arith.extui %lt3A_198 : i1 to i32
      %cond3A_200 = arith.constant 0 : i32
      %cond3A_201 = arith.cmpi ne, %convert_element_type3A_199, %cond3A_200 : i32
      scf.if %cond3A_201 {
        %add3A_310 = arith.constant 2 : i32
        %add3A_311 = arith.addi %add3A_151, %add3A_310 : i32
        %mul3A_312 = arith.constant 64 : i32
        %mul3A_313 = arith.muli %add3A_311, %mul3A_312 : i32
        %add3A_314 = arith.addi %mul3A_2, %mul3A_313 : i32
        %dma_start3A_315 = arith.constant 3 : i32
        %dma_start3A_316 = arith.constant 0 : i32
        %dma_start3A_317 = arith.constant 0 : i32
        %dma_start3A_318 = tpu.memref_slice %arg6[%dma_start3A_315, %dma_start3A_316, %dma_start3A_317] : memref<4x64x64xf32, #tpu.memory_space<vmem>> -> memref<1x64x64xf32, #tpu.memory_space<vmem>>
        %dma_start3A_319 = tpu.memref_squeeze %dma_start3A_318 : memref<1x64x64xf32, #tpu.memory_space<vmem>> -> memref<64x64xf32, #tpu.memory_space<vmem>>
        %dma_start3A_320 = arith.constant 0 : i32
        %dma_start3A_321 = tpu.memref_slice %arg2[%add3A_314, %dma_start3A_320] : memref<819200x64xf32, #tpu.memory_space<hbm>> -> memref<64x64xf32, #tpu.memory_space<hbm>>
        %dma_start3A_322 = arith.constant 0 : i32
        %dma_start3A_323 = arith.constant 0 : i32
        %dma_start3A_324 = tpu.memref_slice %arg6[%dma_start3A_315, %dma_start3A_322, %dma_start3A_323] : memref<4x64x64xf32, #tpu.memory_space<vmem>> -> memref<1x64x64xf32, #tpu.memory_space<vmem>>
        %dma_start3A_325 = tpu.memref_squeeze %dma_start3A_324 : memref<1x64x64xf32, #tpu.memory_space<vmem>> -> memref<64x64xf32, #tpu.memory_space<vmem>>
        %dma_start3A_326 = arith.constant 0 : i32
        %dma_start3A_327 = tpu.memref_slice %arg2[%add3A_314, %dma_start3A_326] : memref<819200x64xf32, #tpu.memory_space<hbm>> -> memref<64x64xf32, #tpu.memory_space<hbm>>
        tpu.enqueue_dma source(%dma_start3A_327 : memref<64x64xf32, #tpu.memory_space<hbm>>) target(%dma_start3A_325 : memref<64x64xf32, #tpu.memory_space<vmem>>) target_semaphore(%arg12 : memref<!tpu.dma_semaphore, #tpu.memory_space<semaphore_mem>>)
      } else {
      }
      %mul3A_202 = arith.constant 4 : i32
      %mul3A_203 = arith.muli %scan3A_97, %mul3A_202 : i32
      %add3A_204 = arith.constant 2 : i32
      %add3A_205 = arith.addi %mul3A_203, %add3A_204 : i32
      %mul3A_206 = arith.constant 64 : i32
      %mul3A_207 = arith.muli %add3A_205, %mul3A_206 : i32
      %add3A_208 = arith.addi %mul3A_2, %mul3A_207 : i32
      %dma_wait3A_209 = arith.constant 2 : i32
      %dma_wait3A_210 = arith.constant 0 : i32
      %dma_wait3A_211 = arith.constant 0 : i32
      %dma_wait3A_212 = tpu.memref_slice %arg6[%dma_wait3A_209, %dma_wait3A_210, %dma_wait3A_211] : memref<4x64x64xf32, #tpu.memory_space<vmem>> -> memref<1x64x64xf32, #tpu.memory_space<vmem>>
      %dma_wait3A_213 = tpu.memref_squeeze %dma_wait3A_212 : memref<1x64x64xf32, #tpu.memory_space<vmem>> -> memref<64x64xf32, #tpu.memory_space<vmem>>
      %dma_wait3A_214 = arith.constant 0 : i32
      %dma_wait3A_215 = tpu.memref_slice %arg2[%add3A_208, %dma_wait3A_214] : memref<819200x64xf32, #tpu.memory_space<hbm>> -> memref<64x64xf32, #tpu.memory_space<hbm>>
      %dma_wait3A_216 = arith.constant 0 : i32
      %dma_wait3A_217 = arith.constant 0 : i32
      %dma_wait3A_218 = tpu.memref_slice %arg6[%dma_wait3A_209, %dma_wait3A_216, %dma_wait3A_217] : memref<4x64x64xf32, #tpu.memory_space<vmem>> -> memref<1x64x64xf32, #tpu.memory_space<vmem>>
      %dma_wait3A_219 = tpu.memref_squeeze %dma_wait3A_218 : memref<1x64x64xf32, #tpu.memory_space<vmem>> -> memref<64x64xf32, #tpu.memory_space<vmem>>
      %dma_wait3A_220 = arith.constant 0 : i32
      %dma_wait3A_221 = tpu.memref_slice %arg2[%add3A_208, %dma_wait3A_220] : memref<819200x64xf32, #tpu.memory_space<hbm>> -> memref<64x64xf32, #tpu.memory_space<hbm>>
      tpu.wait_dma2 semaphore(%arg11 : memref<!tpu.dma_semaphore, #tpu.memory_space<semaphore_mem>>) src(%dma_wait3A_221 : memref<64x64xf32, #tpu.memory_space<hbm>>) dst(%dma_wait3A_219 : memref<64x64xf32, #tpu.memory_space<vmem>>)
      %ge3A_222 = arith.constant 4 : i32
      %ge3A_223 = arith.cmpi sge, %add3A_205, %ge3A_222 : i32
      %convert_element_type3A_224 = arith.extui %ge3A_223 : i1 to i32
      %cond3A_225 = arith.constant 0 : i32
      %cond3A_226 = arith.cmpi ne, %convert_element_type3A_224, %cond3A_225 : i32
      scf.if %cond3A_226 {
        %sub3A = arith.constant 4 : i32
        %sub3A_310 = arith.subi %add3A_205, %sub3A : i32
        %mul3A_311 = arith.constant 64 : i32
        %mul3A_312 = arith.muli %sub3A_310, %mul3A_311 : i32
        %add3A_313 = arith.addi %mul3A_2, %mul3A_312 : i32
        %dma_wait3A_314 = arith.constant 2 : i32
        %dma_wait3A_315 = arith.constant 0 : i32
        %dma_wait3A_316 = arith.constant 0 : i32
        %dma_wait3A_317 = tpu.memref_slice %arg7[%dma_wait3A_314, %dma_wait3A_315, %dma_wait3A_316] : memref<4x64x128xf32, #tpu.memory_space<vmem>> -> memref<1x64x128xf32, #tpu.memory_space<vmem>>
        %dma_wait3A_318 = tpu.memref_squeeze %dma_wait3A_317 : memref<1x64x128xf32, #tpu.memory_space<vmem>> -> memref<64x128xf32, #tpu.memory_space<vmem>>
        %dma_wait3A_319 = arith.constant 0 : i32
        %dma_wait3A_320 = tpu.memref_slice %arg4[%add3A_313, %dma_wait3A_319] : memref<819200x128xf32, #tpu.memory_space<hbm>> -> memref<64x128xf32, #tpu.memory_space<hbm>>
        %dma_wait3A_321 = arith.constant 0 : i32
        %dma_wait3A_322 = tpu.memref_slice %arg4[%add3A_313, %dma_wait3A_321] : memref<819200x128xf32, #tpu.memory_space<hbm>> -> memref<64x128xf32, #tpu.memory_space<hbm>>
        %dma_wait3A_323 = arith.constant 0 : i32
        %dma_wait3A_324 = arith.constant 0 : i32
        %dma_wait3A_325 = tpu.memref_slice %arg7[%dma_wait3A_314, %dma_wait3A_323, %dma_wait3A_324] : memref<4x64x128xf32, #tpu.memory_space<vmem>> -> memref<1x64x128xf32, #tpu.memory_space<vmem>>
        %dma_wait3A_326 = tpu.memref_squeeze %dma_wait3A_325 : memref<1x64x128xf32, #tpu.memory_space<vmem>> -> memref<64x128xf32, #tpu.memory_space<vmem>>
        tpu.wait_dma2 semaphore(%arg15 : memref<!tpu.dma_semaphore, #tpu.memory_space<semaphore_mem>>) src(%dma_wait3A_326 : memref<64x128xf32, #tpu.memory_space<vmem>>) dst(%dma_wait3A_322 : memref<64x128xf32, #tpu.memory_space<hbm>>)
      } else {
      }
      %scan3A_227 = arith.constant 0 : i32
      %scan3A_228 = arith.constant 0 : i32
      %scan3A_229 = arith.constant 64 : i32
      %scan3A_230 = arith.addi %scan3A_228, %scan3A_229 : i32
      %scan3A_231 = arith.constant 1 : i32
      scf.for %scan3A_310 = %scan3A_228 to %scan3A_230 step %scan3A_231  : i32 {
        %broadcast_in_dim3A_311 = vector.broadcast %scan3A_310 : i32 to vector<16xi32>
        %gather3A = arith.constant 2 : i32
        %gather3A_312 = arith.constant 0 : i32
        %gather3A_313 = arith.constant 0 : i32
        %gather3A_314 = tpu.memref_slice %arg6[%gather3A, %gather3A_312, %gather3A_313] : memref<4x64x64xf32, #tpu.memory_space<vmem>> -> memref<1x64x64xf32, #tpu.memory_space<vmem>>
        %gather3A_315 = tpu.memref_squeeze %gather3A_314 : memref<1x64x64xf32, #tpu.memory_space<vmem>> -> memref<64x64xf32, #tpu.memory_space<vmem>>
        %gather3A_316 = tpu.vector_load_idx %gather3A_315[%broadcast_in_dim3A_311, %broadcast_in_dim3A_32] : memref<64x64xf32, #tpu.memory_space<vmem>>[vector<16xi32>, vector<16xi32>], vector<16xf32>,
        %convert_element_type3A_317 = arith.fptosi %gather3A_316 : vector<16xf32> to vector<16xi32>
        %max3A = arith.constant 0 : i32
        %max3A_318 = vector.broadcast %max3A : i32 to vector<16xi32>
        %max3A_319 = arith.maxsi %convert_element_type3A_317, %max3A_318 : vector<16xi32>
        %min3A = arith.constant 999 : i32
        %min3A_320 = vector.broadcast %min3A : i32 to vector<16xi32>
        %min3A_321 = arith.minsi %max3A_319, %min3A_320 : vector<16xi32>
        %get3A = arith.constant 2 : i32
        %get3A_322 = arith.index_cast %get3A : i32 to index
        %get3A_323 = arith.index_cast %scan3A_310 : i32 to index
        %get3A_324 = arith.constant 0 : index
        %get3A_325 = tpu.vector_load %arg6[%get3A_322, %get3A_323, %get3A_324] {strides = array<i32>} : memref<4x64x64xf32, #tpu.memory_space<vmem>>, vector<16xf32>,
        %swap3A = arith.constant 2 : i32
        %swap3A_326 = arith.index_cast %swap3A : i32 to index
        %swap3A_327 = arith.index_cast %scan3A_310 : i32 to index
        %swap3A_328 = arith.constant 0 : index
        %swap3A_329 = tpu.vector_load %arg7[%swap3A_326, %swap3A_327, %swap3A_328] {strides = array<i32>} : memref<4x64x128xf32, #tpu.memory_space<vmem>>, vector<16xf32>,
        tpu.vector_store %arg7[%swap3A_326, %swap3A_327, %swap3A_328], %get3A_325 {strides = array<i32>} : memref<4x64x128xf32, #tpu.memory_space<vmem>>, vector<16xf32>,
        %add3A_330 = arith.constant 0 : i32
        %add3A_331 = vector.broadcast %add3A_330 : i32 to vector<16xi32>
        %add3A_332 = arith.addi %iota3A, %add3A_331 : vector<16xi32>
        %gather3A_333 = tpu.vector_load_idx %arg5[%min3A_321, %add3A_332] : memref<1000x64xf32, #tpu.memory_space<vmem>>[vector<16xi32>, vector<16xi32>], vector<16xf32>,
        %swap3A_334 = arith.constant 2 : i32
        %swap3A_335 = arith.index_cast %swap3A_334 : i32 to index
        %swap3A_336 = arith.index_cast %scan3A_310 : i32 to index
        %swap3A_337 = arith.constant 64 : index
        %swap3A_338 = tpu.vector_load %arg7[%swap3A_335, %swap3A_336, %swap3A_337] {strides = array<i32>} : memref<4x64x128xf32, #tpu.memory_space<vmem>>, vector<16xf32>,
        tpu.vector_store %arg7[%swap3A_335, %swap3A_336, %swap3A_337], %gather3A_333 {strides = array<i32>} : memref<4x64x128xf32, #tpu.memory_space<vmem>>, vector<16xf32>,
        %get3A_339 = arith.constant 2 : i32
        %get3A_340 = arith.index_cast %get3A_339 : i32 to index
        %get3A_341 = arith.index_cast %scan3A_310 : i32 to index
        %get3A_342 = arith.constant 16 : index
        %get3A_343 = tpu.vector_load %arg6[%get3A_340, %get3A_341, %get3A_342] {strides = array<i32>} : memref<4x64x64xf32, #tpu.memory_space<vmem>>, vector<16xf32>,
        %swap3A_344 = arith.constant 2 : i32
        %swap3A_345 = arith.index_cast %swap3A_344 : i32 to index
        %swap3A_346 = arith.index_cast %scan3A_310 : i32 to index
        %swap3A_347 = arith.constant 16 : index
        %swap3A_348 = tpu.vector_load %arg7[%swap3A_345, %swap3A_346, %swap3A_347] {strides = array<i32>} : memref<4x64x128xf32, #tpu.memory_space<vmem>>, vector<16xf32>,
        tpu.vector_store %arg7[%swap3A_345, %swap3A_346, %swap3A_347], %get3A_343 {strides = array<i32>} : memref<4x64x128xf32, #tpu.memory_space<vmem>>, vector<16xf32>,
        %add3A_349 = arith.constant 16 : i32
        %add3A_350 = vector.broadcast %add3A_349 : i32 to vector<16xi32>
        %add3A_351 = arith.addi %iota3A, %add3A_350 : vector<16xi32>
        %gather3A_352 = tpu.vector_load_idx %arg5[%min3A_321, %add3A_351] : memref<1000x64xf32, #tpu.memory_space<vmem>>[vector<16xi32>, vector<16xi32>], vector<16xf32>,
        %swap3A_353 = arith.constant 2 : i32
        %swap3A_354 = arith.index_cast %swap3A_353 : i32 to index
        %swap3A_355 = arith.index_cast %scan3A_310 : i32 to index
        %swap3A_356 = arith.constant 80 : index
        %swap3A_357 = tpu.vector_load %arg7[%swap3A_354, %swap3A_355, %swap3A_356] {strides = array<i32>} : memref<4x64x128xf32, #tpu.memory_space<vmem>>, vector<16xf32>,
        tpu.vector_store %arg7[%swap3A_354, %swap3A_355, %swap3A_356], %gather3A_352 {strides = array<i32>} : memref<4x64x128xf32, #tpu.memory_space<vmem>>, vector<16xf32>,
        %get3A_358 = arith.constant 2 : i32
        %get3A_359 = arith.index_cast %get3A_358 : i32 to index
        %get3A_360 = arith.index_cast %scan3A_310 : i32 to index
        %get3A_361 = arith.constant 32 : index
        %get3A_362 = tpu.vector_load %arg6[%get3A_359, %get3A_360, %get3A_361] {strides = array<i32>} : memref<4x64x64xf32, #tpu.memory_space<vmem>>, vector<16xf32>,
        %swap3A_363 = arith.constant 2 : i32
        %swap3A_364 = arith.index_cast %swap3A_363 : i32 to index
        %swap3A_365 = arith.index_cast %scan3A_310 : i32 to index
        %swap3A_366 = arith.constant 32 : index
        %swap3A_367 = tpu.vector_load %arg7[%swap3A_364, %swap3A_365, %swap3A_366] {strides = array<i32>} : memref<4x64x128xf32, #tpu.memory_space<vmem>>, vector<16xf32>,
        tpu.vector_store %arg7[%swap3A_364, %swap3A_365, %swap3A_366], %get3A_362 {strides = array<i32>} : memref<4x64x128xf32, #tpu.memory_space<vmem>>, vector<16xf32>,
        %add3A_368 = arith.constant 32 : i32
        %add3A_369 = vector.broadcast %add3A_368 : i32 to vector<16xi32>
        %add3A_370 = arith.addi %iota3A, %add3A_369 : vector<16xi32>
        %gather3A_371 = tpu.vector_load_idx %arg5[%min3A_321, %add3A_370] : memref<1000x64xf32, #tpu.memory_space<vmem>>[vector<16xi32>, vector<16xi32>], vector<16xf32>,
        %swap3A_372 = arith.constant 2 : i32
        %swap3A_373 = arith.index_cast %swap3A_372 : i32 to index
        %swap3A_374 = arith.index_cast %scan3A_310 : i32 to index
        %swap3A_375 = arith.constant 96 : index
        %swap3A_376 = tpu.vector_load %arg7[%swap3A_373, %swap3A_374, %swap3A_375] {strides = array<i32>} : memref<4x64x128xf32, #tpu.memory_space<vmem>>, vector<16xf32>,
        tpu.vector_store %arg7[%swap3A_373, %swap3A_374, %swap3A_375], %gather3A_371 {strides = array<i32>} : memref<4x64x128xf32, #tpu.memory_space<vmem>>, vector<16xf32>,
        %get3A_377 = arith.constant 2 : i32
        %get3A_378 = arith.index_cast %get3A_377 : i32 to index
        %get3A_379 = arith.index_cast %scan3A_310 : i32 to index
        %get3A_380 = arith.constant 48 : index
        %get3A_381 = tpu.vector_load %arg6[%get3A_378, %get3A_379, %get3A_380] {strides = array<i32>} : memref<4x64x64xf32, #tpu.memory_space<vmem>>, vector<16xf32>,
        %swap3A_382 = arith.constant 2 : i32
        %swap3A_383 = arith.index_cast %swap3A_382 : i32 to index
        %swap3A_384 = arith.index_cast %scan3A_310 : i32 to index
        %swap3A_385 = arith.constant 48 : index
        %swap3A_386 = tpu.vector_load %arg7[%swap3A_383, %swap3A_384, %swap3A_385] {strides = array<i32>} : memref<4x64x128xf32, #tpu.memory_space<vmem>>, vector<16xf32>,
        tpu.vector_store %arg7[%swap3A_383, %swap3A_384, %swap3A_385], %get3A_381 {strides = array<i32>} : memref<4x64x128xf32, #tpu.memory_space<vmem>>, vector<16xf32>,
        %add3A_387 = arith.constant 48 : i32
        %add3A_388 = vector.broadcast %add3A_387 : i32 to vector<16xi32>
        %add3A_389 = arith.addi %iota3A, %add3A_388 : vector<16xi32>
        %gather3A_390 = tpu.vector_load_idx %arg5[%min3A_321, %add3A_389] : memref<1000x64xf32, #tpu.memory_space<vmem>>[vector<16xi32>, vector<16xi32>], vector<16xf32>,
        %swap3A_391 = arith.constant 2 : i32
        %swap3A_392 = arith.index_cast %swap3A_391 : i32 to index
        %swap3A_393 = arith.index_cast %scan3A_310 : i32 to index
        %swap3A_394 = arith.constant 112 : index
        %swap3A_395 = tpu.vector_load %arg7[%swap3A_392, %swap3A_393, %swap3A_394] {strides = array<i32>} : memref<4x64x128xf32, #tpu.memory_space<vmem>>, vector<16xf32>,
        tpu.vector_store %arg7[%swap3A_392, %swap3A_393, %swap3A_394], %gather3A_390 {strides = array<i32>} : memref<4x64x128xf32, #tpu.memory_space<vmem>>, vector<16xf32>,
      }
      %scan3A_232 = arith.constant 64 : i32
      %mul3A_233 = arith.constant 64 : i32
      %mul3A_234 = arith.muli %add3A_205, %mul3A_233 : i32
      %add3A_235 = arith.addi %mul3A_2, %mul3A_234 : i32
      %dma_start3A_236 = arith.constant 2 : i32
      %dma_start3A_237 = arith.constant 0 : i32
      %dma_start3A_238 = arith.constant 0 : i32
      %dma_start3A_239 = tpu.memref_slice %arg7[%dma_start3A_236, %dma_start3A_237, %dma_start3A_238] : memref<4x64x128xf32, #tpu.memory_space<vmem>> -> memref<1x64x128xf32, #tpu.memory_space<vmem>>
      %dma_start3A_240 = tpu.memref_squeeze %dma_start3A_239 : memref<1x64x128xf32, #tpu.memory_space<vmem>> -> memref<64x128xf32, #tpu.memory_space<vmem>>
      %dma_start3A_241 = arith.constant 0 : i32
      %dma_start3A_242 = tpu.memref_slice %arg4[%add3A_235, %dma_start3A_241] : memref<819200x128xf32, #tpu.memory_space<hbm>> -> memref<64x128xf32, #tpu.memory_space<hbm>>
      %dma_start3A_243 = arith.constant 0 : i32
      %dma_start3A_244 = tpu.memref_slice %arg4[%add3A_235, %dma_start3A_243] : memref<819200x128xf32, #tpu.memory_space<hbm>> -> memref<64x128xf32, #tpu.memory_space<hbm>>
      %dma_start3A_245 = arith.constant 0 : i32
      %dma_start3A_246 = arith.constant 0 : i32
      %dma_start3A_247 = tpu.memref_slice %arg7[%dma_start3A_236, %dma_start3A_245, %dma_start3A_246] : memref<4x64x128xf32, #tpu.memory_space<vmem>> -> memref<1x64x128xf32, #tpu.memory_space<vmem>>
      %dma_start3A_248 = tpu.memref_squeeze %dma_start3A_247 : memref<1x64x128xf32, #tpu.memory_space<vmem>> -> memref<64x128xf32, #tpu.memory_space<vmem>>
      tpu.enqueue_dma source(%dma_start3A_248 : memref<64x128xf32, #tpu.memory_space<vmem>>) target(%dma_start3A_244 : memref<64x128xf32, #tpu.memory_space<hbm>>) target_semaphore(%arg15 : memref<!tpu.dma_semaphore, #tpu.memory_space<semaphore_mem>>)
      %add3A_249 = arith.constant 2 : i32
      %add3A_250 = arith.addi %add3A_205, %add3A_249 : i32
      %lt3A_251 = arith.constant 400 : i32
      %lt3A_252 = arith.cmpi slt, %add3A_250, %lt3A_251 : i32
      %convert_element_type3A_253 = arith.extui %lt3A_252 : i1 to i32
      %cond3A_254 = arith.constant 0 : i32
      %cond3A_255 = arith.cmpi ne, %convert_element_type3A_253, %cond3A_254 : i32
      scf.if %cond3A_255 {
        %add3A_310 = arith.constant 2 : i32
        %add3A_311 = arith.addi %add3A_205, %add3A_310 : i32
        %mul3A_312 = arith.constant 64 : i32
        %mul3A_313 = arith.muli %add3A_311, %mul3A_312 : i32
        %add3A_314 = arith.addi %mul3A_2, %mul3A_313 : i32
        %dma_start3A_315 = arith.constant 0 : i32
        %dma_start3A_316 = arith.constant 0 : i32
        %dma_start3A_317 = arith.constant 0 : i32
        %dma_start3A_318 = tpu.memref_slice %arg6[%dma_start3A_315, %dma_start3A_316, %dma_start3A_317] : memref<4x64x64xf32, #tpu.memory_space<vmem>> -> memref<1x64x64xf32, #tpu.memory_space<vmem>>
        %dma_start3A_319 = tpu.memref_squeeze %dma_start3A_318 : memref<1x64x64xf32, #tpu.memory_space<vmem>> -> memref<64x64xf32, #tpu.memory_space<vmem>>
        %dma_start3A_320 = arith.constant 0 : i32
        %dma_start3A_321 = tpu.memref_slice %arg2[%add3A_314, %dma_start3A_320] : memref<819200x64xf32, #tpu.memory_space<hbm>> -> memref<64x64xf32, #tpu.memory_space<hbm>>
        %dma_start3A_322 = arith.constant 0 : i32
        %dma_start3A_323 = arith.constant 0 : i32
        %dma_start3A_324 = tpu.memref_slice %arg6[%dma_start3A_315, %dma_start3A_322, %dma_start3A_323] : memref<4x64x64xf32, #tpu.memory_space<vmem>> -> memref<1x64x64xf32, #tpu.memory_space<vmem>>
        %dma_start3A_325 = tpu.memref_squeeze %dma_start3A_324 : memref<1x64x64xf32, #tpu.memory_space<vmem>> -> memref<64x64xf32, #tpu.memory_space<vmem>>
        %dma_start3A_326 = arith.constant 0 : i32
        %dma_start3A_327 = tpu.memref_slice %arg2[%add3A_314, %dma_start3A_326] : memref<819200x64xf32, #tpu.memory_space<hbm>> -> memref<64x64xf32, #tpu.memory_space<hbm>>
        tpu.enqueue_dma source(%dma_start3A_327 : memref<64x64xf32, #tpu.memory_space<hbm>>) target(%dma_start3A_325 : memref<64x64xf32, #tpu.memory_space<vmem>>) target_semaphore(%arg9 : memref<!tpu.dma_semaphore, #tpu.memory_space<semaphore_mem>>)
      } else {
      }
      %mul3A_256 = arith.constant 4 : i32
      %mul3A_257 = arith.muli %scan3A_97, %mul3A_256 : i32
      %add3A_258 = arith.constant 3 : i32
      %add3A_259 = arith.addi %mul3A_257, %add3A_258 : i32
      %mul3A_260 = arith.constant 64 : i32
      %mul3A_261 = arith.muli %add3A_259, %mul3A_260 : i32
      %add3A_262 = arith.addi %mul3A_2, %mul3A_261 : i32
      %dma_wait3A_263 = arith.constant 3 : i32
      %dma_wait3A_264 = arith.constant 0 : i32
      %dma_wait3A_265 = arith.constant 0 : i32
      %dma_wait3A_266 = tpu.memref_slice %arg6[%dma_wait3A_263, %dma_wait3A_264, %dma_wait3A_265] : memref<4x64x64xf32, #tpu.memory_space<vmem>> -> memref<1x64x64xf32, #tpu.memory_space<vmem>>
      %dma_wait3A_267 = tpu.memref_squeeze %dma_wait3A_266 : memref<1x64x64xf32, #tpu.memory_space<vmem>> -> memref<64x64xf32, #tpu.memory_space<vmem>>
      %dma_wait3A_268 = arith.constant 0 : i32
      %dma_wait3A_269 = tpu.memref_slice %arg2[%add3A_262, %dma_wait3A_268] : memref<819200x64xf32, #tpu.memory_space<hbm>> -> memref<64x64xf32, #tpu.memory_space<hbm>>
      %dma_wait3A_270 = arith.constant 0 : i32
      %dma_wait3A_271 = arith.constant 0 : i32
      %dma_wait3A_272 = tpu.memref_slice %arg6[%dma_wait3A_263, %dma_wait3A_270, %dma_wait3A_271] : memref<4x64x64xf32, #tpu.memory_space<vmem>> -> memref<1x64x64xf32, #tpu.memory_space<vmem>>
      %dma_wait3A_273 = tpu.memref_squeeze %dma_wait3A_272 : memref<1x64x64xf32, #tpu.memory_space<vmem>> -> memref<64x64xf32, #tpu.memory_space<vmem>>
      %dma_wait3A_274 = arith.constant 0 : i32
      %dma_wait3A_275 = tpu.memref_slice %arg2[%add3A_262, %dma_wait3A_274] : memref<819200x64xf32, #tpu.memory_space<hbm>> -> memref<64x64xf32, #tpu.memory_space<hbm>>
      tpu.wait_dma2 semaphore(%arg12 : memref<!tpu.dma_semaphore, #tpu.memory_space<semaphore_mem>>) src(%dma_wait3A_275 : memref<64x64xf32, #tpu.memory_space<hbm>>) dst(%dma_wait3A_273 : memref<64x64xf32, #tpu.memory_space<vmem>>)
      %ge3A_276 = arith.constant 4 : i32
      %ge3A_277 = arith.cmpi sge, %add3A_259, %ge3A_276 : i32
      %convert_element_type3A_278 = arith.extui %ge3A_277 : i1 to i32
      %cond3A_279 = arith.constant 0 : i32
      %cond3A_280 = arith.cmpi ne, %convert_element_type3A_278, %cond3A_279 : i32
      scf.if %cond3A_280 {
        %sub3A = arith.constant 4 : i32
        %sub3A_310 = arith.subi %add3A_259, %sub3A : i32
        %mul3A_311 = arith.constant 64 : i32
        %mul3A_312 = arith.muli %sub3A_310, %mul3A_311 : i32
        %add3A_313 = arith.addi %mul3A_2, %mul3A_312 : i32
        %dma_wait3A_314 = arith.constant 3 : i32
        %dma_wait3A_315 = arith.constant 0 : i32
        %dma_wait3A_316 = arith.constant 0 : i32
        %dma_wait3A_317 = tpu.memref_slice %arg7[%dma_wait3A_314, %dma_wait3A_315, %dma_wait3A_316] : memref<4x64x128xf32, #tpu.memory_space<vmem>> -> memref<1x64x128xf32, #tpu.memory_space<vmem>>
        %dma_wait3A_318 = tpu.memref_squeeze %dma_wait3A_317 : memref<1x64x128xf32, #tpu.memory_space<vmem>> -> memref<64x128xf32, #tpu.memory_space<vmem>>
        %dma_wait3A_319 = arith.constant 0 : i32
        %dma_wait3A_320 = tpu.memref_slice %arg4[%add3A_313, %dma_wait3A_319] : memref<819200x128xf32, #tpu.memory_space<hbm>> -> memref<64x128xf32, #tpu.memory_space<hbm>>
        %dma_wait3A_321 = arith.constant 0 : i32
        %dma_wait3A_322 = tpu.memref_slice %arg4[%add3A_313, %dma_wait3A_321] : memref<819200x128xf32, #tpu.memory_space<hbm>> -> memref<64x128xf32, #tpu.memory_space<hbm>>
        %dma_wait3A_323 = arith.constant 0 : i32
        %dma_wait3A_324 = arith.constant 0 : i32
        %dma_wait3A_325 = tpu.memref_slice %arg7[%dma_wait3A_314, %dma_wait3A_323, %dma_wait3A_324] : memref<4x64x128xf32, #tpu.memory_space<vmem>> -> memref<1x64x128xf32, #tpu.memory_space<vmem>>
        %dma_wait3A_326 = tpu.memref_squeeze %dma_wait3A_325 : memref<1x64x128xf32, #tpu.memory_space<vmem>> -> memref<64x128xf32, #tpu.memory_space<vmem>>
        tpu.wait_dma2 semaphore(%arg16 : memref<!tpu.dma_semaphore, #tpu.memory_space<semaphore_mem>>) src(%dma_wait3A_326 : memref<64x128xf32, #tpu.memory_space<vmem>>) dst(%dma_wait3A_322 : memref<64x128xf32, #tpu.memory_space<hbm>>)
      } else {
      }
      %scan3A_281 = arith.constant 0 : i32
      %scan3A_282 = arith.constant 0 : i32
      %scan3A_283 = arith.constant 64 : i32
      %scan3A_284 = arith.addi %scan3A_282, %scan3A_283 : i32
      %scan3A_285 = arith.constant 1 : i32
      scf.for %scan3A_310 = %scan3A_282 to %scan3A_284 step %scan3A_285  : i32 {
        %broadcast_in_dim3A_311 = vector.broadcast %scan3A_310 : i32 to vector<16xi32>
        %gather3A = arith.constant 3 : i32
        %gather3A_312 = arith.constant 0 : i32
        %gather3A_313 = arith.constant 0 : i32
        %gather3A_314 = tpu.memref_slice %arg6[%gather3A, %gather3A_312, %gather3A_313] : memref<4x64x64xf32, #tpu.memory_space<vmem>> -> memref<1x64x64xf32, #tpu.memory_space<vmem>>
        %gather3A_315 = tpu.memref_squeeze %gather3A_314 : memref<1x64x64xf32, #tpu.memory_space<vmem>> -> memref<64x64xf32, #tpu.memory_space<vmem>>
        %gather3A_316 = tpu.vector_load_idx %gather3A_315[%broadcast_in_dim3A_311, %broadcast_in_dim3A_32] : memref<64x64xf32, #tpu.memory_space<vmem>>[vector<16xi32>, vector<16xi32>], vector<16xf32>,
        %convert_element_type3A_317 = arith.fptosi %gather3A_316 : vector<16xf32> to vector<16xi32>
        %max3A = arith.constant 0 : i32
        %max3A_318 = vector.broadcast %max3A : i32 to vector<16xi32>
        %max3A_319 = arith.maxsi %convert_element_type3A_317, %max3A_318 : vector<16xi32>
        %min3A = arith.constant 999 : i32
        %min3A_320 = vector.broadcast %min3A : i32 to vector<16xi32>
        %min3A_321 = arith.minsi %max3A_319, %min3A_320 : vector<16xi32>
        %get3A = arith.constant 3 : i32
        %get3A_322 = arith.index_cast %get3A : i32 to index
        %get3A_323 = arith.index_cast %scan3A_310 : i32 to index
        %get3A_324 = arith.constant 0 : index
        %get3A_325 = tpu.vector_load %arg6[%get3A_322, %get3A_323, %get3A_324] {strides = array<i32>} : memref<4x64x64xf32, #tpu.memory_space<vmem>>, vector<16xf32>,
        %swap3A = arith.constant 3 : i32
        %swap3A_326 = arith.index_cast %swap3A : i32 to index
        %swap3A_327 = arith.index_cast %scan3A_310 : i32 to index
        %swap3A_328 = arith.constant 0 : index
        %swap3A_329 = tpu.vector_load %arg7[%swap3A_326, %swap3A_327, %swap3A_328] {strides = array<i32>} : memref<4x64x128xf32, #tpu.memory_space<vmem>>, vector<16xf32>,
        tpu.vector_store %arg7[%swap3A_326, %swap3A_327, %swap3A_328], %get3A_325 {strides = array<i32>} : memref<4x64x128xf32, #tpu.memory_space<vmem>>, vector<16xf32>,
        %add3A_330 = arith.constant 0 : i32
        %add3A_331 = vector.broadcast %add3A_330 : i32 to vector<16xi32>
        %add3A_332 = arith.addi %iota3A, %add3A_331 : vector<16xi32>
        %gather3A_333 = tpu.vector_load_idx %arg5[%min3A_321, %add3A_332] : memref<1000x64xf32, #tpu.memory_space<vmem>>[vector<16xi32>, vector<16xi32>], vector<16xf32>,
        %swap3A_334 = arith.constant 3 : i32
        %swap3A_335 = arith.index_cast %swap3A_334 : i32 to index
        %swap3A_336 = arith.index_cast %scan3A_310 : i32 to index
        %swap3A_337 = arith.constant 64 : index
        %swap3A_338 = tpu.vector_load %arg7[%swap3A_335, %swap3A_336, %swap3A_337] {strides = array<i32>} : memref<4x64x128xf32, #tpu.memory_space<vmem>>, vector<16xf32>,
        tpu.vector_store %arg7[%swap3A_335, %swap3A_336, %swap3A_337], %gather3A_333 {strides = array<i32>} : memref<4x64x128xf32, #tpu.memory_space<vmem>>, vector<16xf32>,
        %get3A_339 = arith.constant 3 : i32
        %get3A_340 = arith.index_cast %get3A_339 : i32 to index
        %get3A_341 = arith.index_cast %scan3A_310 : i32 to index
        %get3A_342 = arith.constant 16 : index
        %get3A_343 = tpu.vector_load %arg6[%get3A_340, %get3A_341, %get3A_342] {strides = array<i32>} : memref<4x64x64xf32, #tpu.memory_space<vmem>>, vector<16xf32>,
        %swap3A_344 = arith.constant 3 : i32
        %swap3A_345 = arith.index_cast %swap3A_344 : i32 to index
        %swap3A_346 = arith.index_cast %scan3A_310 : i32 to index
        %swap3A_347 = arith.constant 16 : index
        %swap3A_348 = tpu.vector_load %arg7[%swap3A_345, %swap3A_346, %swap3A_347] {strides = array<i32>} : memref<4x64x128xf32, #tpu.memory_space<vmem>>, vector<16xf32>,
        tpu.vector_store %arg7[%swap3A_345, %swap3A_346, %swap3A_347], %get3A_343 {strides = array<i32>} : memref<4x64x128xf32, #tpu.memory_space<vmem>>, vector<16xf32>,
        %add3A_349 = arith.constant 16 : i32
        %add3A_350 = vector.broadcast %add3A_349 : i32 to vector<16xi32>
        %add3A_351 = arith.addi %iota3A, %add3A_350 : vector<16xi32>
        %gather3A_352 = tpu.vector_load_idx %arg5[%min3A_321, %add3A_351] : memref<1000x64xf32, #tpu.memory_space<vmem>>[vector<16xi32>, vector<16xi32>], vector<16xf32>,
        %swap3A_353 = arith.constant 3 : i32
        %swap3A_354 = arith.index_cast %swap3A_353 : i32 to index
        %swap3A_355 = arith.index_cast %scan3A_310 : i32 to index
        %swap3A_356 = arith.constant 80 : index
        %swap3A_357 = tpu.vector_load %arg7[%swap3A_354, %swap3A_355, %swap3A_356] {strides = array<i32>} : memref<4x64x128xf32, #tpu.memory_space<vmem>>, vector<16xf32>,
        tpu.vector_store %arg7[%swap3A_354, %swap3A_355, %swap3A_356], %gather3A_352 {strides = array<i32>} : memref<4x64x128xf32, #tpu.memory_space<vmem>>, vector<16xf32>,
        %get3A_358 = arith.constant 3 : i32
        %get3A_359 = arith.index_cast %get3A_358 : i32 to index
        %get3A_360 = arith.index_cast %scan3A_310 : i32 to index
        %get3A_361 = arith.constant 32 : index
        %get3A_362 = tpu.vector_load %arg6[%get3A_359, %get3A_360, %get3A_361] {strides = array<i32>} : memref<4x64x64xf32, #tpu.memory_space<vmem>>, vector<16xf32>,
        %swap3A_363 = arith.constant 3 : i32
        %swap3A_364 = arith.index_cast %swap3A_363 : i32 to index
        %swap3A_365 = arith.index_cast %scan3A_310 : i32 to index
        %swap3A_366 = arith.constant 32 : index
        %swap3A_367 = tpu.vector_load %arg7[%swap3A_364, %swap3A_365, %swap3A_366] {strides = array<i32>} : memref<4x64x128xf32, #tpu.memory_space<vmem>>, vector<16xf32>,
        tpu.vector_store %arg7[%swap3A_364, %swap3A_365, %swap3A_366], %get3A_362 {strides = array<i32>} : memref<4x64x128xf32, #tpu.memory_space<vmem>>, vector<16xf32>,
        %add3A_368 = arith.constant 32 : i32
        %add3A_369 = vector.broadcast %add3A_368 : i32 to vector<16xi32>
        %add3A_370 = arith.addi %iota3A, %add3A_369 : vector<16xi32>
        %gather3A_371 = tpu.vector_load_idx %arg5[%min3A_321, %add3A_370] : memref<1000x64xf32, #tpu.memory_space<vmem>>[vector<16xi32>, vector<16xi32>], vector<16xf32>,
        %swap3A_372 = arith.constant 3 : i32
        %swap3A_373 = arith.index_cast %swap3A_372 : i32 to index
        %swap3A_374 = arith.index_cast %scan3A_310 : i32 to index
        %swap3A_375 = arith.constant 96 : index
        %swap3A_376 = tpu.vector_load %arg7[%swap3A_373, %swap3A_374, %swap3A_375] {strides = array<i32>} : memref<4x64x128xf32, #tpu.memory_space<vmem>>, vector<16xf32>,
        tpu.vector_store %arg7[%swap3A_373, %swap3A_374, %swap3A_375], %gather3A_371 {strides = array<i32>} : memref<4x64x128xf32, #tpu.memory_space<vmem>>, vector<16xf32>,
        %get3A_377 = arith.constant 3 : i32
        %get3A_378 = arith.index_cast %get3A_377 : i32 to index
        %get3A_379 = arith.index_cast %scan3A_310 : i32 to index
        %get3A_380 = arith.constant 48 : index
        %get3A_381 = tpu.vector_load %arg6[%get3A_378, %get3A_379, %get3A_380] {strides = array<i32>} : memref<4x64x64xf32, #tpu.memory_space<vmem>>, vector<16xf32>,
        %swap3A_382 = arith.constant 3 : i32
        %swap3A_383 = arith.index_cast %swap3A_382 : i32 to index
        %swap3A_384 = arith.index_cast %scan3A_310 : i32 to index
        %swap3A_385 = arith.constant 48 : index
        %swap3A_386 = tpu.vector_load %arg7[%swap3A_383, %swap3A_384, %swap3A_385] {strides = array<i32>} : memref<4x64x128xf32, #tpu.memory_space<vmem>>, vector<16xf32>,
        tpu.vector_store %arg7[%swap3A_383, %swap3A_384, %swap3A_385], %get3A_381 {strides = array<i32>} : memref<4x64x128xf32, #tpu.memory_space<vmem>>, vector<16xf32>,
        %add3A_387 = arith.constant 48 : i32
        %add3A_388 = vector.broadcast %add3A_387 : i32 to vector<16xi32>
        %add3A_389 = arith.addi %iota3A, %add3A_388 : vector<16xi32>
        %gather3A_390 = tpu.vector_load_idx %arg5[%min3A_321, %add3A_389] : memref<1000x64xf32, #tpu.memory_space<vmem>>[vector<16xi32>, vector<16xi32>], vector<16xf32>,
        %swap3A_391 = arith.constant 3 : i32
        %swap3A_392 = arith.index_cast %swap3A_391 : i32 to index
        %swap3A_393 = arith.index_cast %scan3A_310 : i32 to index
        %swap3A_394 = arith.constant 112 : index
        %swap3A_395 = tpu.vector_load %arg7[%swap3A_392, %swap3A_393, %swap3A_394] {strides = array<i32>} : memref<4x64x128xf32, #tpu.memory_space<vmem>>, vector<16xf32>,
        tpu.vector_store %arg7[%swap3A_392, %swap3A_393, %swap3A_394], %gather3A_390 {strides = array<i32>} : memref<4x64x128xf32, #tpu.memory_space<vmem>>, vector<16xf32>,
      }
      %scan3A_286 = arith.constant 64 : i32
      %mul3A_287 = arith.constant 64 : i32
      %mul3A_288 = arith.muli %add3A_259, %mul3A_287 : i32
      %add3A_289 = arith.addi %mul3A_2, %mul3A_288 : i32
      %dma_start3A_290 = arith.constant 3 : i32
      %dma_start3A_291 = arith.constant 0 : i32
      %dma_start3A_292 = arith.constant 0 : i32
      %dma_start3A_293 = tpu.memref_slice %arg7[%dma_start3A_290, %dma_start3A_291, %dma_start3A_292] : memref<4x64x128xf32, #tpu.memory_space<vmem>> -> memref<1x64x128xf32, #tpu.memory_space<vmem>>
      %dma_start3A_294 = tpu.memref_squeeze %dma_start3A_293 : memref<1x64x128xf32, #tpu.memory_space<vmem>> -> memref<64x128xf32, #tpu.memory_space<vmem>>
      %dma_start3A_295 = arith.constant 0 : i32
      %dma_start3A_296 = tpu.memref_slice %arg4[%add3A_289, %dma_start3A_295] : memref<819200x128xf32, #tpu.memory_space<hbm>> -> memref<64x128xf32, #tpu.memory_space<hbm>>
      %dma_start3A_297 = arith.constant 0 : i32
      %dma_start3A_298 = tpu.memref_slice %arg4[%add3A_289, %dma_start3A_297] : memref<819200x128xf32, #tpu.memory_space<hbm>> -> memref<64x128xf32, #tpu.memory_space<hbm>>
      %dma_start3A_299 = arith.constant 0 : i32
      %dma_start3A_300 = arith.constant 0 : i32
      %dma_start3A_301 = tpu.memref_slice %arg7[%dma_start3A_290, %dma_start3A_299, %dma_start3A_300] : memref<4x64x128xf32, #tpu.memory_space<vmem>> -> memref<1x64x128xf32, #tpu.memory_space<vmem>>
      %dma_start3A_302 = tpu.memref_squeeze %dma_start3A_301 : memref<1x64x128xf32, #tpu.memory_space<vmem>> -> memref<64x128xf32, #tpu.memory_space<vmem>>
      tpu.enqueue_dma source(%dma_start3A_302 : memref<64x128xf32, #tpu.memory_space<vmem>>) target(%dma_start3A_298 : memref<64x128xf32, #tpu.memory_space<hbm>>) target_semaphore(%arg16 : memref<!tpu.dma_semaphore, #tpu.memory_space<semaphore_mem>>)
      %add3A_303 = arith.constant 2 : i32
      %add3A_304 = arith.addi %add3A_259, %add3A_303 : i32
      %lt3A_305 = arith.constant 400 : i32
      %lt3A_306 = arith.cmpi slt, %add3A_304, %lt3A_305 : i32
      %convert_element_type3A_307 = arith.extui %lt3A_306 : i1 to i32
      %cond3A_308 = arith.constant 0 : i32
      %cond3A_309 = arith.cmpi ne, %convert_element_type3A_307, %cond3A_308 : i32
      scf.if %cond3A_309 {
        %add3A_310 = arith.constant 2 : i32
        %add3A_311 = arith.addi %add3A_259, %add3A_310 : i32
        %mul3A_312 = arith.constant 64 : i32
        %mul3A_313 = arith.muli %add3A_311, %mul3A_312 : i32
        %add3A_314 = arith.addi %mul3A_2, %mul3A_313 : i32
        %dma_start3A_315 = arith.constant 1 : i32
        %dma_start3A_316 = arith.constant 0 : i32
        %dma_start3A_317 = arith.constant 0 : i32
        %dma_start3A_318 = tpu.memref_slice %arg6[%dma_start3A_315, %dma_start3A_316, %dma_start3A_317] : memref<4x64x64xf32, #tpu.memory_space<vmem>> -> memref<1x64x64xf32, #tpu.memory_space<vmem>>
        %dma_start3A_319 = tpu.memref_squeeze %dma_start3A_318 : memref<1x64x64xf32, #tpu.memory_space<vmem>> -> memref<64x64xf32, #tpu.memory_space<vmem>>
        %dma_start3A_320 = arith.constant 0 : i32
        %dma_start3A_321 = tpu.memref_slice %arg2[%add3A_314, %dma_start3A_320] : memref<819200x64xf32, #tpu.memory_space<hbm>> -> memref<64x64xf32, #tpu.memory_space<hbm>>
        %dma_start3A_322 = arith.constant 0 : i32
        %dma_start3A_323 = arith.constant 0 : i32
        %dma_start3A_324 = tpu.memref_slice %arg6[%dma_start3A_315, %dma_start3A_322, %dma_start3A_323] : memref<4x64x64xf32, #tpu.memory_space<vmem>> -> memref<1x64x64xf32, #tpu.memory_space<vmem>>
        %dma_start3A_325 = tpu.memref_squeeze %dma_start3A_324 : memref<1x64x64xf32, #tpu.memory_space<vmem>> -> memref<64x64xf32, #tpu.memory_space<vmem>>
        %dma_start3A_326 = arith.constant 0 : i32
        %dma_start3A_327 = tpu.memref_slice %arg2[%add3A_314, %dma_start3A_326] : memref<819200x64xf32, #tpu.memory_space<hbm>> -> memref<64x64xf32, #tpu.memory_space<hbm>>
        tpu.enqueue_dma source(%dma_start3A_327 : memref<64x64xf32, #tpu.memory_space<hbm>>) target(%dma_start3A_325 : memref<64x64xf32, #tpu.memory_space<vmem>>) target_semaphore(%arg10 : memref<!tpu.dma_semaphore, #tpu.memory_space<semaphore_mem>>)
      } else {
      }
    }
    %scan3A_37 = arith.constant 100 : i32
    %add3A_38 = arith.constant 25344 : i32
    %add3A_39 = arith.addi %mul3A_2, %add3A_38 : i32
    %dma_wait3A = arith.constant 0 : i32
    %dma_wait3A_40 = arith.constant 0 : i32
    %dma_wait3A_41 = arith.constant 0 : i32
    %dma_wait3A_42 = tpu.memref_slice %arg7[%dma_wait3A, %dma_wait3A_40, %dma_wait3A_41] : memref<4x64x128xf32, #tpu.memory_space<vmem>> -> memref<1x64x128xf32, #tpu.memory_space<vmem>>
    %dma_wait3A_43 = tpu.memref_squeeze %dma_wait3A_42 : memref<1x64x128xf32, #tpu.memory_space<vmem>> -> memref<64x128xf32, #tpu.memory_space<vmem>>
    %dma_wait3A_44 = arith.constant 0 : i32
    %dma_wait3A_45 = tpu.memref_slice %arg4[%add3A_39, %dma_wait3A_44] : memref<819200x128xf32, #tpu.memory_space<hbm>> -> memref<64x128xf32, #tpu.memory_space<hbm>>
    %dma_wait3A_46 = arith.constant 0 : i32
    %dma_wait3A_47 = tpu.memref_slice %arg4[%add3A_39, %dma_wait3A_46] : memref<819200x128xf32, #tpu.memory_space<hbm>> -> memref<64x128xf32, #tpu.memory_space<hbm>>
    %dma_wait3A_48 = arith.constant 0 : i32
    %dma_wait3A_49 = arith.constant 0 : i32
    %dma_wait3A_50 = tpu.memref_slice %arg7[%dma_wait3A, %dma_wait3A_48, %dma_wait3A_49] : memref<4x64x128xf32, #tpu.memory_space<vmem>> -> memref<1x64x128xf32, #tpu.memory_space<vmem>>
    %dma_wait3A_51 = tpu.memref_squeeze %dma_wait3A_50 : memref<1x64x128xf32, #tpu.memory_space<vmem>> -> memref<64x128xf32, #tpu.memory_space<vmem>>
    tpu.wait_dma2 semaphore(%arg13 : memref<!tpu.dma_semaphore, #tpu.memory_space<semaphore_mem>>) src(%dma_wait3A_51 : memref<64x128xf32, #tpu.memory_space<vmem>>) dst(%dma_wait3A_47 : memref<64x128xf32, #tpu.memory_space<hbm>>)
    %add3A_52 = arith.constant 25408 : i32
    %add3A_53 = arith.addi %mul3A_2, %add3A_52 : i32
    %dma_wait3A_54 = arith.constant 1 : i32
    %dma_wait3A_55 = arith.constant 0 : i32
    %dma_wait3A_56 = arith.constant 0 : i32
    %dma_wait3A_57 = tpu.memref_slice %arg7[%dma_wait3A_54, %dma_wait3A_55, %dma_wait3A_56] : memref<4x64x128xf32, #tpu.memory_space<vmem>> -> memref<1x64x128xf32, #tpu.memory_space<vmem>>
    %dma_wait3A_58 = tpu.memref_squeeze %dma_wait3A_57 : memref<1x64x128xf32, #tpu.memory_space<vmem>> -> memref<64x128xf32, #tpu.memory_space<vmem>>
    %dma_wait3A_59 = arith.constant 0 : i32
    %dma_wait3A_60 = tpu.memref_slice %arg4[%add3A_53, %dma_wait3A_59] : memref<819200x128xf32, #tpu.memory_space<hbm>> -> memref<64x128xf32, #tpu.memory_space<hbm>>
    %dma_wait3A_61 = arith.constant 0 : i32
    %dma_wait3A_62 = tpu.memref_slice %arg4[%add3A_53, %dma_wait3A_61] : memref<819200x128xf32, #tpu.memory_space<hbm>> -> memref<64x128xf32, #tpu.memory_space<hbm>>
    %dma_wait3A_63 = arith.constant 0 : i32
    %dma_wait3A_64 = arith.constant 0 : i32
    %dma_wait3A_65 = tpu.memref_slice %arg7[%dma_wait3A_54, %dma_wait3A_63, %dma_wait3A_64] : memref<4x64x128xf32, #tpu.memory_space<vmem>> -> memref<1x64x128xf32, #tpu.memory_space<vmem>>
    %dma_wait3A_66 = tpu.memref_squeeze %dma_wait3A_65 : memref<1x64x128xf32, #tpu.memory_space<vmem>> -> memref<64x128xf32, #tpu.memory_space<vmem>>
    tpu.wait_dma2 semaphore(%arg14 : memref<!tpu.dma_semaphore, #tpu.memory_space<semaphore_mem>>) src(%dma_wait3A_66 : memref<64x128xf32, #tpu.memory_space<vmem>>) dst(%dma_wait3A_62 : memref<64x128xf32, #tpu.memory_space<hbm>>)
    %add3A_67 = arith.constant 25472 : i32
    %add3A_68 = arith.addi %mul3A_2, %add3A_67 : i32
    %dma_wait3A_69 = arith.constant 2 : i32
    %dma_wait3A_70 = arith.constant 0 : i32
    %dma_wait3A_71 = arith.constant 0 : i32
    %dma_wait3A_72 = tpu.memref_slice %arg7[%dma_wait3A_69, %dma_wait3A_70, %dma_wait3A_71] : memref<4x64x128xf32, #tpu.memory_space<vmem>> -> memref<1x64x128xf32, #tpu.memory_space<vmem>>
    %dma_wait3A_73 = tpu.memref_squeeze %dma_wait3A_72 : memref<1x64x128xf32, #tpu.memory_space<vmem>> -> memref<64x128xf32, #tpu.memory_space<vmem>>
    %dma_wait3A_74 = arith.constant 0 : i32
    %dma_wait3A_75 = tpu.memref_slice %arg4[%add3A_68, %dma_wait3A_74] : memref<819200x128xf32, #tpu.memory_space<hbm>> -> memref<64x128xf32, #tpu.memory_space<hbm>>
    %dma_wait3A_76 = arith.constant 0 : i32
    %dma_wait3A_77 = tpu.memref_slice %arg4[%add3A_68, %dma_wait3A_76] : memref<819200x128xf32, #tpu.memory_space<hbm>> -> memref<64x128xf32, #tpu.memory_space<hbm>>
    %dma_wait3A_78 = arith.constant 0 : i32
    %dma_wait3A_79 = arith.constant 0 : i32
    %dma_wait3A_80 = tpu.memref_slice %arg7[%dma_wait3A_69, %dma_wait3A_78, %dma_wait3A_79] : memref<4x64x128xf32, #tpu.memory_space<vmem>> -> memref<1x64x128xf32, #tpu.memory_space<vmem>>
    %dma_wait3A_81 = tpu.memref_squeeze %dma_wait3A_80 : memref<1x64x128xf32, #tpu.memory_space<vmem>> -> memref<64x128xf32, #tpu.memory_space<vmem>>
    tpu.wait_dma2 semaphore(%arg15 : memref<!tpu.dma_semaphore, #tpu.memory_space<semaphore_mem>>) src(%dma_wait3A_81 : memref<64x128xf32, #tpu.memory_space<vmem>>) dst(%dma_wait3A_77 : memref<64x128xf32, #tpu.memory_space<hbm>>)
    %add3A_82 = arith.constant 25536 : i32
    %add3A_83 = arith.addi %mul3A_2, %add3A_82 : i32
    %dma_wait3A_84 = arith.constant 3 : i32
    %dma_wait3A_85 = arith.constant 0 : i32
    %dma_wait3A_86 = arith.constant 0 : i32
    %dma_wait3A_87 = tpu.memref_slice %arg7[%dma_wait3A_84, %dma_wait3A_85, %dma_wait3A_86] : memref<4x64x128xf32, #tpu.memory_space<vmem>> -> memref<1x64x128xf32, #tpu.memory_space<vmem>>
    %dma_wait3A_88 = tpu.memref_squeeze %dma_wait3A_87 : memref<1x64x128xf32, #tpu.memory_space<vmem>> -> memref<64x128xf32, #tpu.memory_space<vmem>>
    %dma_wait3A_89 = arith.constant 0 : i32
    %dma_wait3A_90 = tpu.memref_slice %arg4[%add3A_83, %dma_wait3A_89] : memref<819200x128xf32, #tpu.memory_space<hbm>> -> memref<64x128xf32, #tpu.memory_space<hbm>>
    %dma_wait3A_91 = arith.constant 0 : i32
    %dma_wait3A_92 = tpu.memref_slice %arg4[%add3A_83, %dma_wait3A_91] : memref<819200x128xf32, #tpu.memory_space<hbm>> -> memref<64x128xf32, #tpu.memory_space<hbm>>
    %dma_wait3A_93 = arith.constant 0 : i32
    %dma_wait3A_94 = arith.constant 0 : i32
    %dma_wait3A_95 = tpu.memref_slice %arg7[%dma_wait3A_84, %dma_wait3A_93, %dma_wait3A_94] : memref<4x64x128xf32, #tpu.memory_space<vmem>> -> memref<1x64x128xf32, #tpu.memory_space<vmem>>
    %dma_wait3A_96 = tpu.memref_squeeze %dma_wait3A_95 : memref<1x64x128xf32, #tpu.memory_space<vmem>> -> memref<64x128xf32, #tpu.memory_space<vmem>>
    tpu.wait_dma2 semaphore(%arg16 : memref<!tpu.dma_semaphore, #tpu.memory_space<semaphore_mem>>) src(%dma_wait3A_96 : memref<64x128xf32, #tpu.memory_space<vmem>>) dst(%dma_wait3A_92 : memref<64x128xf32, #tpu.memory_space<hbm>>)
    return
  }
}

</mosaic_0001>

<sc_bundles>
// kernel: kernel.3.cloned.1.call-start
scs
__scs_entry_jumppad:
0x0: {  	(pc) =	sbr.rel $0x88, $3  }
0x1: {  	(tag) =	ssettag $0x0;
	lr =	simm.s32 $0x1  }
0x2: {  	[smem:$0x3F9F] =	sst lr;
	_ =	strace $0xD0000000  }
0x3: {  	_ = 	snop  }
0x4: {  	_ = 	snop  }
0x5: {  	_ = 	snop  }
0x6: {  	_ = 	snop  }
0x7: {  	_ = 	snop  }
__scs_overlays_trampoline_lowered:
0x8: {  	[smem:$0x3FAE] =	sst s0  }
0x9: {  	[smem:$0x3FAF] =	sst s1  }
0xa: {  	[smem:$0x3FB0] =	sst s2  }
0xb: {  	[smem:$0x3FB1] =	sst s3  }
0xc: {  	[smem:$0x3FB2] =	sst s4  }
0xd: {  	[smem:$0x3FB3] =	sst s5  }
0xe: {  	[smem:$0x3FB4] =	sst s6  }
0xf: {  	[smem:$0x3FB5] =	sst s7  }
0x10: {  	[smem:$0x3FB6] =	sst s8  }
0x11: {  	[smem:$0x3FB7] =	sst s9;
	s0 =	simm.s32 @!p0 $0x0  }
0x12: {  	s1 =	sld [smem:$0x3F9D];
	s0 =	simm.s32 @p0 $0x1  }
0x13: {  	[smem:$0x3FB8] =	sst s0;
	s0 =	simm.s32 @!p1 $0x0  }
0x14: {  	s2 =	sld [smem:$0x3F9C];
	s0 =	simm.s32 @p1 $0x1  }
0x15: {  	[smem:$0x3FB9] =	sst s0;
	s0 =	simm.s32 @!p2 $0x0  }
0x16: {  	s3 =	sld [smem:$0x3FDB];
	s0 =	simm.s32 @p2 $0x1  }
0x17: {  	s4 =	simm.s32 $0x1BF5;
	[smem:$0x3FBB] =	sst s0  }
0x18: {  	s0 =	sld [smem:$0x3F9E];
	_ =	swait.ge [sflag:s4], $0x0  }
0x19: {  	s7 =	sld [smem:$0x3F9F]  }
0x1a: {  	s8 =	sadd.s32 $0xFFFFE003, lr  }
0x1b: {  	s9 =	sadd.s32 $0xFFFFFEF7, lr;
	s5 =	simm.s32 $0xFFFFFFFF;
	p2 =	slt.u32 s8, $0xFFFFF086  }
0x1c: {  	p1 =	slt.u32 s9, $0xF7A;
	s5 =	simm.s32 @!p2 $0x0  }
0x1d: {  	s5 =	simm.s32 @p1 $0x1;
	p0 =	seq.s32 s7, s2  }
0x1e: {  	s7 =	smul.u32 @!p0 $0xF7A, s2;
	p2 =	seq.s32 @!p0 s5, $0x0  }
0x1f: {  	s9 =	smul.u32 $0xF7A, s1;
	s8 =	simm.s32 @!p0 $0x1BF5;
	p2 =	por !p2, p0  }
0x20: {  	[sflag:s8] =	ssyncset.s32 @!p0 $0xFFFFF086;
	s6 =	sadd.s32 @!p0 s3, s7;
	s7 =	simm.s32 @!p0 $0x108  }
0x21: {  	s3 =	sadd.s32 s3, s9;
	s6 =	sadd.s32 @!p0 $0x88, s6;
	s7 =	simm.s32 @p2 $0x1082  }
0x22: {  	[simem:s7], [sflag:s8] =	dma.local @!p0 [hbm:s6], $0xF7A  }
0x23: {  	s9 =	sor.u32 $0xD0000000, s2;
	s6 =	simm.s32 $0x108;
	_ =	swait.ge @!p0 [sflag:s8], $0x0  }
0x24: {  	s3 =	sadd.s32 $0x88, s3;
	s6 =	simm.s32 @!p1 $0x1082;
	[sflag:s4] =	ssyncset.s32 $0xFFFFF086  }
0x25: {  	[simem:s6], [sflag:s4] =	dma.local [hbm:s3], $0xF7A  }
0x26: {  	[smem:$0x3F9F] =	sst s1;
	(tag) =	ssettag s2;
	_ =	strace s9  }
0x27: {  	s1 =	sld [smem:$0x3FAF]  }
0x28: {  	s2 =	sld [smem:$0x3FB0]  }
0x29: {  	s4 =	sld [smem:$0x3FB2]  }
0x2a: {  	p0 =	seq.s32 s5, $0x0;
	s5 =	sld [smem:$0x3FB3]  }
0x2b: {  	s6 =	sld [smem:$0x3FB4]  }
0x2c: {  	s7 =	sld [smem:$0x3FB5]  }
0x2d: {  	s3 =	simm.s32 $0x108;
	s8 =	sld [smem:$0x3FB6]  }
0x2e: {  	s3 =	simm.s32 @!p0 $0x1082;
	s9 =	sld [smem:$0x3FB7]  }
0x2f: {  	lr =	sadd.s32 s0, s3;
	s0 =	sld [smem:$0x3FAE]  }
0x30: {  	s3 =	sld [smem:$0x3FB1]  }
0x31: {  	[smem:$0x3FBA] =	sst s10  }
0x32: {  	s10 =	sld [smem:$0x3FB8];
	_ =	sdelay $0x3  }
0x33: {  	p0 =	seq.s32 s10, $0x1;
	s10 =	sld [smem:$0x3FBA];
	_ =	sdelay $0x3  }
0x34: {  	[smem:$0x3FBA] =	sst s10  }
0x35: {  	s10 =	sld [smem:$0x3FB9];
	_ =	sdelay $0x3  }
0x36: {  	p1 =	seq.s32 s10, $0x1;
	s10 =	sld [smem:$0x3FBA];
	_ =	sdelay $0x3  }
0x37: {  	[smem:$0x3FBA] =	sst s10  }
0x38: {  	s10 =	sld [smem:$0x3FBB]  }
0x39: {  	_ = 	snop;
	(pc) =	sbr.ind lr, $3  }
0x3a: {  	_ = 	snop  }
0x3b: {  	_ = 	snop  }
0x3c: {  	p2 =	seq.s32 s10, $0x1;
	s10 =	sld [smem:$0x3FBA]  }
0x3d: {  	_ =	shalt  }
0x3e: {  	_ =	shalt  }
0x3f: {  	_ =	shalt  }
0x40: {  	_ =	shalt  }
0x41: {  	_ =	shalt  }
0x42: {  	_ =	shalt  }
0x43: {  	_ =	shalt  }
0x44: {  	_ =	shalt  }
0x45: {  	_ =	shalt  }
0x46: {  	_ =	shalt  }
0x47: {  	_ =	shalt  }
0x48: {  	_ =	shalt  }
0x49: {  	_ =	shalt  }
0x4a: {  	_ =	shalt  }
0x4b: {  	_ =	shalt  }
0x4c: {  	_ =	shalt  }
0x4d: {  	_ =	shalt  }
0x4e: {  	_ =	shalt  }
0x4f: {  	_ =	shalt  }
0x50: {  	_ =	shalt  }
0x51: {  	_ =	shalt  }
0x52: {  	_ =	shalt  }
0x53: {  	_ =	shalt  }
0x54: {  	_ =	shalt  }
0x55: {  	_ =	shalt  }
0x56: {  	_ =	shalt  }
0x57: {  	_ =	shalt  }
0x58: {  	_ =	shalt  }
0x59: {  	_ =	shalt  }
0x5a: {  	_ =	shalt  }
0x5b: {  	_ =	shalt  }
0x5c: {  	_ =	shalt  }
0x5d: {  	_ =	shalt  }
0x5e: {  	_ =	shalt  }
0x5f: {  	_ =	shalt  }
0x60: {  	_ =	shalt  }
0x61: {  	_ =	shalt  }
0x62: {  	_ =	shalt  }
0x63: {  	_ =	shalt  }
0x64: {  	_ =	shalt  }
0x65: {  	_ =	shalt  }
0x66: {  	_ =	shalt  }
0x67: {  	_ =	shalt  }
0x68: {  	_ =	shalt  }
0x69: {  	_ =	shalt  }
0x6a: {  	_ =	shalt  }
0x6b: {  	_ =	shalt  }
0x6c: {  	_ =	shalt  }
0x6d: {  	_ =	shalt  }
0x6e: {  	_ =	shalt  }
0x6f: {  	_ =	shalt  }
0x70: {  	_ =	shalt  }
0x71: {  	_ =	shalt  }
0x72: {  	_ =	shalt  }
0x73: {  	_ =	shalt  }
0x74: {  	_ =	shalt  }
0x75: {  	_ =	shalt  }
0x76: {  	_ =	shalt  }
0x77: {  	_ =	shalt  }
0x78: {  	_ =	shalt  }
0x79: {  	_ =	shalt  }
0x7a: {  	_ =	shalt  }
0x7b: {  	_ =	shalt  }
0x7c: {  	_ =	shalt  }
0x7d: {  	_ =	shalt  }
0x7e: {  	_ =	shalt  }
0x7f: {  	_ =	shalt  }
0x80: {  	_ =	shalt  }
0x81: {  	_ =	shalt  }
0x82: {  	_ =	shalt  }
0x83: {  	_ =	shalt  }
0x84: {  	_ =	shalt  }
0x85: {  	_ =	shalt  }
0x86: {  	_ =	shalt  }
0x87: {  	_ =	shalt  }
.Lfunc_end0:
.L_simem_size_0:
called_computation_lowered:
.L_overlay_start_0:
0x88: {  	s2 =	sld [smem:$0x3FD9]  }
0x89: {  	s3 =	sld [smem:$0x3FFE];
	_ =	sdelay $0x1  }
0x8a: {  	s1 =	srdreg.scid  }
0x8b: {  	s0 =	sand.u32 $0x1, s1  }
0x8c: {  	s17 =	sshll.u32 s0, $0xA;
	s2 =	sadd.s32 s3, s2  }
0x8d: {  	s2 =	sadd.s32 s2, s17  }
0x8e: {  	[smem:$0x3FC6] =	sst s2  }
0x8f: {  	_ = 	snop  }
0x90: {  	s2 =	sld [smem:$0x3FD0];
	(tm) =	ssettm $0x1  }
0x91: {  	s18 =	sld [smem:$0x3FFB];
	_ =	sdelay $0x3  }
0x92: {  	_ =	strace s18  }
0x93: {  	s3 =	sld [smem:$0x3FFC];
	_ =	sdelay $0x3  }
0x94: {  	_ =	strace s3  }
0x95: {  	s3 =	sld [smem:$0x3FFD];
	_ =	sdelay $0x3  }
0x96: {  	_ =	strace s3  }
0x97: {  	_ =	strace $0x8FFFFFFF  }
0x98: {  	s19 =	sld [smem:$0x3FDB];
	_ =	sdelay $0x1  }
0x99: {  	s4 =	simm.s32 $_scs_section_size  }
0x9a: {  	s5 =	simm.s32 $_size__tile_overlayer_lowered;
	s6 =	simm.s32 $_tile_overlayer_lowered  }
0x9b: {  	s22 =	simm.s32 $0x1BFF;
	s21 =	sshll.u32 s6, $0x1;
	s3 =	sadd.s32 s4, s19  }
0x9c: {  	s7 =	simm.s32 $0x0;
	s20 =	sshll.u32 s5, $0x1;
	s5 =	sadd.s32 s21, s3  }
0x9d: {  	[timem:s7], [sflag:s22] =	dma.local [hbm:s5], s20  }
0x9e: {  	_ =	swait.ge [sflag:s22], s20  }
0x9f: {  	s4 =	ssub.s32 $0x0, s20;
	[sflag:s22] =	ssyncset.done $0x0  }
0xa0: {  	[sflag:s22] =	ssyncadd.s32 s4;
	_ =	sdelay $0x1  }
0xa1: {  	s23 =	simm.s32 $0x1B8B  }
0xa2: {  	_ =	swait.ge [sflag:s23], $0x1  }
0xa3: {  	[sflag:s23] =	ssyncset.done $0x0  }
0xa4: {  	s25 =	simm.s32 $0x1B8E;
	s24 =	sld [smem:$0x3FFE];
	[sflag:s23] =	ssyncadd.s32 $0xFFFFFFFF  }
0xa5: {  	s26 =	simm.s32 $execute0_lowered;
	[smem:$0x3FD2] =	sst s25  }
0xa6: {  	s5 =	sshll.u32 s26, $0x1;
	_ =	strace $0x80000046;
	[dreg:$0x1] =	wrdreg $0xFFFFFFFF  }
0xa7: {  	s28 =	simm.s32 $_size_execute0_lowered;
	s3 =	sadd.s32 s3, s5;
	[dreg:$0x0] =	wrdreg $0x0  }
0xa8: {  	s5 =	sshll.u32 s28, $0x1;
	[dreg:$0x2] =	wrdreg s3  }
0xa9: {  	[dreg:$0x3] =	wrdreg s5  }
0xaa: {  	[dreg:$0x4] =	wrdreg $0xC0  }
0xab: {  	_ =	task [dreg:s7], $0x5FFFF  }
0xac: {  	[dreg:$0x1] =	wrdreg $0xFFFFFFFF  }
0xad: {  	[dreg:$0x0] =	wrdreg $0x60  }
0xae: {  	[dreg:$0x2] =	wrdreg s24  }
0xaf: {  	[dreg:$0x3] =	wrdreg s2  }
0xb0: {  	[dreg:$0x4] =	wrdreg $0x9  }
0xb1: {  	_ =	task.clear_ibuf [dreg:s7], $0x5FFFF;
	_ =	strace $0x90000046  }
0xb2: {  	s29 =	simm.s32 $0x9;
	_ =	strace $0x80000048  }
0xb3: {  	_ =	swait.ge [sflag:s29], $0x1  }
0xb4: {  	[sflag:s29] =	ssyncadd.s32 $0xFFFFFFFF  }
0xb5: {  	_ =	strace $0x90000048  }
0xb6: {  	_ =	sfence  }
0xb7: {  	s30 =	sld [smem:$0x0];
	_ =	sdelay $0x2  }
0xb8: {  	s31 =	sshll.u32 s1, $0xD;
	s1 =	sshrl.u32 s1, $0x2  }
0xb9: {  	s3 =	sand.u32 $0x4000, s31;
	s1 =	sadd.s32 s1, s30  }
0xba: {  	s0 =	sor.u32 s3, s0;
	s1 =	sshll.u32 s1, $0x11  }
0xbb: {  	s0 =	sor.u32 s1, s0  }
0xbc: {  	s0 =	sadd.s32 $0x8F2B, s0  }
0xbd: {  	[sflag:s0] =	ssyncadd.remote.s32 $0x1  }
0xbe: {  	_ =	sfence.sel $0xFFFF  }
0xbf: {  	[dreg:$0x0] =	wrdreg $0xFFFFFFFF;
	(pc) =	sbr.abs _section_cstart, $3  }
0xc0: {  	[dreg:$0x1] =	wrdreg $0xFFFFFFFF  }
0xc1: {  	_ =	task.clear_ibuf [dreg:s7], $0x2FFFF;
	_ =	strace $0x9FFFFFFF  }
0xc2: {  	(tm) =	ssettm $0x7FFFFFFF  }
0xc3: {  	_ =	shalt  }
tec
execute0_lowered:
.L_overlay_start_1:
0x0: {  	(tag) =	ssettag $0x1  }
0x1: {  	s0 =	rddreg [dreg:$0x0]  }
0x2: {  	s2 =	rddreg [dreg:$0x1];
	s1 =	srdreg.scid  }
0x3: {  	s4 =	stileid.u32;
	s3 =	simm.s32 $0x0;
	s14 =	simm.s32 $0xFA00  }
0x4: {  	s15 =	simm.s32 $0x10A00;
	s17 =	simm.s32 $0x2;
	s18 =	simm.s32 $0x13A00  }
0x5: {  	s19 =	simm.s32 $0x11A00;
	s20 =	simm.s32 $0x3;
	s21 =	simm.s32 $0x15A00  }
0x6: {  	s22 =	simm.s32 $0x12A00;
	s23 =	simm.s32 $0x4;
	s24 =	simm.s32 $0x17A00  }
0x7: {  	s25 =	simm.s32 $0x5;
	s1 =	sand.u32 $0x1, s1;
	s4 =	sshll.u32 s4, $0x1  }
0x8: {  	s28 =	simm.s32 $0x19A00;
	[smem:$0x7FF] =	sst s3;
	s6 =	sor.u32 s1, s4  }
0x9: {  	_ =	strace $0x80000047;
	s4 =	sadd.s32 $0x2400, s0;
	s7 =	smul.u32 $0x32000, s6  }
0xa: {  	s1 =	ssub.s32 $0x2, s1;
	s0 =	sadd.s32 $0x400, s0;
	s5 =	smul.u32 $0x190000, s6  }
0xb: {  	s8 =	sshrl.u32 s1, $0x1;
	s26 =	smul.u32 $0x64000, s6;
	[dreg:$0x4] =	wrdreg s0  }
.Ltmp0:
0xc: {  	s29 =	ssub.s32 s1, s8;
	s9 =	sadd.s32 s4, s7;
	(pc) =	sbr.rel .LBB2_1-.Ltmp0, $4  }
0xd: {  	s10 =	sor.u32 $0x4000, s5;
	s31 =	sadd.s32 s26, s2;
	s11 =	sor.u32 $0x5000, s5  }
0xe: {  	s0 =	smax.u32 s29, $0x1;
	s26 =	simm.s32 $0x9;
	[dreg:$0x3] =	wrdreg s9  }
0xf: {  	v0 =	vlaneseq.u32;
	s30 =	sadd.s32 $0x200, s9;
	s9 =	smul.u32 $0x320000, s6;
	[dreg:$0x6] =	wrdreg s0  }
0x10: {  	v1 =	vor.u32 $0x10, v0;
	v2 =	vor.u32 $0x20, v0;
	v3 =	vor.u32 $0x30, v0;
	s13 =	sadd.s32 $0x400, s31;
	s0 =	simm.s32 $0x0;
	[dreg:$0x5] =	wrdreg s30  }
.LBB2_16:
0x11: {  	s1 =	simm.s32 $0x6  }
0x12: {  	_ =	swait.ge [sflag:s1], $0x2000  }
0x13: {  	[sflag:s1] =	ssyncset.done $0x0  }
0x14: {  	s29 =	simm.s32 $0x7;
	[sflag:s1] =	ssyncadd.s32 $0xFFFFE000  }
0x15: {  	_ =	swait.ge [sflag:s29], $0x2000  }
0x16: {  	[sflag:s29] =	ssyncset.done $0x0  }
0x17: {  	s30 =	simm.s32 $0x8;
	[sflag:s29] =	ssyncadd.s32 $0xFFFFE000  }
0x18: {  	_ =	swait.ge [sflag:s30], $0x2000  }
0x19: {  	[sflag:s30] =	ssyncset.done $0x0  }
0x1a: {  	[sflag:s30] =	ssyncadd.s32 $0xFFFFE000  }
0x1b: {  	_ =	swait.ge [sflag:s26], $0x2000  }
0x1c: {  	s0 =	sadd.s32 $0x1, s0;
	s31 =	rddreg [dreg:$0x6]  }
0x1d: {  	p0 =	sne.s32 s0, s31  }
.Ltmp1:
0x1e: {  	_ = 	snop;
	(pc) =	sbr.rel @!p0 .LBB2_17-.Ltmp1, $3  }
0x1f: {  	_ =	sdelay $0x1  }
0x20: {  	[sflag:s26] =	ssyncset.done $0x0  }
0x21: {  	[sflag:s26] =	ssyncadd.s32 $0xFFFFE000  }
.LBB2_1:
0x22: {  	s1 =	rddreg [dreg:$0x4]  }
0x23: {  	[tilespmem:s3], [sflag:$0x1] =	stream.linear.gather [hbm4b:s1+s3], $0xFA00, $0x38;
	[tilespmem:$0x1BA00] =	vst v63  }
0x24: {  	s29 =	rddreg [dreg:$0x3]  }
0x25: {  	[tilespmem:s14], [sflag:$0x2] =	stream.linear.gather [hbm4b:s29+s3], $0x1000, $0x38;
	[tilespmem:$0x1BA00] =	vst v63  }
0x26: {  	s30 =	rddreg [dreg:$0x5];
	s31 =	simm.s32 $0x1  }
0x27: {  	[tilespmem:s15], [sflag:$0x3] =	stream.linear.gather [hbm4b:s30+s3], $0x1000, $0x38;
	[tilespmem:$0x1BA00] =	vst v63  }
0x28: {  	_ =	swait.ge [sflag:s31], $0xFA00  }
0x29: {  	[sflag:s31] =	ssyncset.done $0x0  }
0x2a: {  	s1 =	simm.s32 $0x0;
	[sflag:s31] =	ssyncadd.s32 $0xFFFF0600  }
.LBB2_2:
0x2b: {  	s6 =	simm.s32 $0x0  }
0x2c: {  	v4 =	vmov s6  }
0x2d: {  	v4 =	vor.u32 $0x2, v4  }
0x2e: {  	_ =	swait.ge [sflag:s17], $0x1000;
	v4 =	vbroadcast v4, $0x0  }
0x2f: {  	p0 =	seq.s32 s1, $0x0;
	[sflag:s17] =	ssyncset.done $0x0  }
0x30: {  	s6 =	simm.s32 @!p0 $0x6;
	[sflag:s17] =	ssyncadd.s32 $0xFFFFF000  }
0x31: {  	_ =	swait.ge @!p0 [sflag:s6], $0x2000  }
0x32: {  	[sflag:s6] =	ssyncset.done @!p0 $0x0  }
0x33: {  	[sflag:s6] =	ssyncadd.s32 @!p0 $0xFFFFE000  }
0x34: {  	v4 =	vld.idx.msk [tilespmem:v4+s14+$0x0], $0xffff;
	_ =	sdelay $0x4  }
0x35: {  	v4 =	vtrunc.f32 v4  }
0x36: {  	v4 =	vcvt.f32.s32 v4;
	_ =	sdelay $0x1  }
0x37: {  	vm0 =	vgt.s32 v4, $0x0  }
0x38: {  	v4 =	vnsel vm0, $0x0, v4  }
0x39: {  	s12 =	simm.s32 $0xFA20;
	v4 =	vmin.u32 v4, $0x3E7  }
0x3a: {  	v5 =	vld [tilespmem:s12+$0xFFFFFFE0];
	v4 =	vshll.u32 v4, $0x6  }
0x3b: {  	v6 =	vor.u32 v0, v4;
	_ =	sdelay $0x2  }
0x3c: {  	s8 =	simm.s32 $0x13A40  }
0x3d: {  	[tilespmem:s8+$0xFFFFFFC0] =	vst v5  }
0x3e: {  	v5 =	vld.idx.msk [tilespmem:v6+s3+$0x0], $0xffff;
	_ =	sdelay $0x4  }
0x3f: {  	[tilespmem:s8+$0x0] =	vst v5  }
0x40: {  	v5 =	vld [tilespmem:s12+$0xFFFFFFF0]  }
0x41: {  	v6 =	vor.u32 v1, v4;
	_ =	sdelay $0x3  }
0x42: {  	[tilespmem:s8+$0xFFFFFFD0] =	vst v5  }
0x43: {  	v5 =	vld.idx.msk [tilespmem:v6+s3+$0x0], $0xffff;
	_ =	sdelay $0x4  }
0x44: {  	[tilespmem:s8+$0x10] =	vst v5  }
0x45: {  	v5 =	vld [tilespmem:s12+$0x0]  }
0x46: {  	v6 =	vor.u32 v2, v4;
	_ =	sdelay $0x3  }
0x47: {  	[tilespmem:s8+$0xFFFFFFE0] =	vst v5  }
0x48: {  	v5 =	vld.idx.msk [tilespmem:v6+s3+$0x0], $0xffff;
	_ =	sdelay $0x4  }
0x49: {  	[tilespmem:s8+$0x20] =	vst v5  }
0x4a: {  	v5 =	vld [tilespmem:s12+$0x10]  }
0x4b: {  	v4 =	vor.u32 v3, v4;
	_ =	sdelay $0x1  }
0x4c: {  	s31 =	simm.s32 $0x40  }
0x4d: {  	v6 =	vmov s31  }
0x4e: {  	v6 =	vor.u32 $0x2, v6;
	[tilespmem:s8+$0xFFFFFFF0] =	vst v5  }
0x4f: {  	s7 =	sshll.u32 s1, $0x2;
	s29 =	simm.s32 $0x2;
	v5 =	vld.idx.msk [tilespmem:v4+s3+$0x0], $0xffff;
	v4 =	vbroadcast v6, $0x0  }
.LBB2_3:
0x50: {  	_ =	sdelay $0x2  }
0x51: {  	s12 =	sadd.s32 $0x40, s12  }
0x52: {  	s16 =	smov.u32 s29;
	s6 =	sadd.s32 $0x1, s29;
	[tilespmem:s8+$0x30] =	vst v5;
	s8 =	sadd.s32 $0x80, s8  }
0x53: {  	p1 =	sne.s32 s29, $0x3F;
	v4 =	vld.idx.msk [tilespmem:v4+s14+$0x0], $0xffff;
	_ =	sdelay $0x5  }
0x54: {  	v4 =	vtrunc.f32 v4  }
0x55: {  	v4 =	vcvt.f32.s32 v4;
	_ =	sdelay $0x1  }
0x56: {  	vm0 =	vgt.s32 v4, $0x0  }
0x57: {  	v4 =	vnsel vm0, $0x0, v4  }
0x58: {  	v4 =	vmin.u32 v4, $0x3E7  }
0x59: {  	v4 =	vshll.u32 v4, $0x6;
	v5 =	vld [tilespmem:s12+$0xFFFFFFE0]  }
0x5a: {  	v6 =	vor.u32 v0, v4;
	_ =	sdelay $0x3  }
0x5b: {  	[tilespmem:s8+$0xFFFFFFC0] =	vst v5  }
0x5c: {  	v5 =	vld.idx.msk [tilespmem:v6+s3+$0x0], $0xffff;
	_ =	sdelay $0x5  }
0x5d: {  	[tilespmem:s8+$0x0] =	vst v5  }
0x5e: {  	v5 =	vld [tilespmem:s12+$0xFFFFFFF0]  }
0x5f: {  	v6 =	vor.u32 v1, v4;
	_ =	sdelay $0x3  }
0x60: {  	[tilespmem:s8+$0xFFFFFFD0] =	vst v5  }
0x61: {  	v5 =	vld.idx.msk [tilespmem:v6+s3+$0x0], $0xffff;
	_ =	sdelay $0x5  }
0x62: {  	[tilespmem:s8+$0x10] =	vst v5  }
0x63: {  	v5 =	vld [tilespmem:s12+$0x0]  }
0x64: {  	v6 =	vor.u32 v2, v4;
	_ =	sdelay $0x3  }
0x65: {  	[tilespmem:s8+$0xFFFFFFE0] =	vst v5  }
0x66: {  	v5 =	vld.idx.msk [tilespmem:v6+s3+$0x0], $0xffff;
	_ =	sdelay $0x5  }
0x67: {  	[tilespmem:s8+$0x20] =	vst v5  }
0x68: {  	v5 =	vld [tilespmem:s12+$0x10]  }
0x69: {  	v4 =	vor.u32 v3, v4;
	_ =	sdelay $0x1  }
.Ltmp2:
0x6a: {  	(pc) =	sbr.rel @p1 .LBB2_3-.Ltmp2, $4  }
0x6b: {  	s16 =	sshll.u32 s16, $0x6  }
0x6c: {  	v6 =	vmov s16;
	[tilespmem:s8+$0xFFFFFFF0] =	vst v5  }
0x6d: {  	v6 =	vor.u32 $0x2, v6;
	v5 =	vld.idx.msk [tilespmem:v4+s3+$0x0], $0xffff  }
0x6e: {  	s29 =	smov.u32 s6;
	v4 =	vbroadcast v6, $0x0  }
0x6f: {  	_ =	sdelay $0x3  }
0x70: {  	[tilespmem:s8+$0x30] =	vst v5  }
0x71: {  	v4 =	vld.idx.msk [tilespmem:v4+s14+$0x0], $0xffff;
	_ =	sdelay $0x4  }
0x72: {  	v4 =	vtrunc.f32 v4  }
0x73: {  	v4 =	vcvt.f32.s32 v4;
	_ =	sdelay $0x1  }
0x74: {  	vm0 =	vgt.s32 v4, $0x0  }
0x75: {  	v4 =	vnsel vm0, $0x0, v4  }
0x76: {  	s6 =	sadd.s32 $0x40, s12;
	v4 =	vmin.u32 v4, $0x3E7  }
0x77: {  	v5 =	vld [tilespmem:s6+$0xFFFFFFE0];
	v4 =	vshll.u32 v4, $0x6  }
0x78: {  	v6 =	vor.u32 v0, v4;
	_ =	sdelay $0x2  }
0x79: {  	s12 =	sadd.s32 $0x80, s8  }
0x7a: {  	[tilespmem:s12+$0xFFFFFFC0] =	vst v5  }
0x7b: {  	v5 =	vld.idx.msk [tilespmem:v6+s3+$0x0], $0xffff;
	_ =	sdelay $0x4  }
0x7c: {  	[tilespmem:s12+$0x0] =	vst v5  }
0x7d: {  	v5 =	vld [tilespmem:s6+$0xFFFFFFF0]  }
0x7e: {  	v6 =	vor.u32 v1, v4;
	_ =	sdelay $0x3  }
0x7f: {  	[tilespmem:s12+$0xFFFFFFD0] =	vst v5  }
0x80: {  	v5 =	vld.idx.msk [tilespmem:v6+s3+$0x0], $0xffff;
	_ =	sdelay $0x4  }
0x81: {  	[tilespmem:s12+$0x10] =	vst v5  }
0x82: {  	v5 =	vld [tilespmem:s6+$0x0]  }
0x83: {  	v6 =	vor.u32 v2, v4;
	_ =	sdelay $0x3  }
0x84: {  	[tilespmem:s12+$0xFFFFFFE0] =	vst v5  }
0x85: {  	v5 =	vld.idx.msk [tilespmem:v6+s3+$0x0], $0xffff;
	_ =	sdelay $0x4  }
0x86: {  	[tilespmem:s12+$0x20] =	vst v5  }
0x87: {  	v5 =	vld [tilespmem:s6+$0x10]  }
0x88: {  	v4 =	vor.u32 v3, v4;
	_ =	sdelay $0x3  }
0x89: {  	[tilespmem:s12+$0xFFFFFFF0] =	vst v5  }
0x8a: {  	v4 =	vld.idx.msk [tilespmem:v4+s3+$0x0], $0xffff;
	_ =	sdelay $0x1  }
0x8b: {  	s16 =	sshll.u32 s1, $0xF  }
0x8c: {  	s6 =	sadd.s32 s9, s16  }
0x8d: {  	s8 =	sor.u32 $0x2, s7;
	s6 =	sshrl.u32 s6, $0x3  }
0x8e: {  	s29 =	sshll.u32 s8, $0xC;
	s6 =	sadd.s32 s2, s6;
	[tilespmem:s12+$0x30] =	vst v4  }
0x8f: {  	[hbm4b:s6+s3] =	stream.linear.scatter [tilespmem:s18], [sflag:$0x6], $0x2000, $0x38;
	[tilespmem:$0x1BA00] =	vst v63  }
0x90: {  	s6 =	sadd.s32 s5, s29  }
0x91: {  	s31 =	simm.s32 $0x0;
	s6 =	sshrl.u32 s6, $0x3  }
0x92: {  	v4 =	vmov s31;
	s6 =	sadd.s32 s4, s6  }
0x93: {  	v4 =	vor.u32 $0x2, v4;
	[tilespmem:s19], [sflag:$0x4] =	stream.linear.gather [hbm4b:s6+s3], $0x1000, $0x38;
	[tilespmem:$0x1BA00] =	vst v63  }
0x94: {  	v4 =	vbroadcast v4, $0x0;
	_ =	swait.ge [sflag:s20], $0x1000  }
0x95: {  	[sflag:s20] =	ssyncset.done $0x0  }
0x96: {  	s6 =	simm.s32 @!p0 $0x7;
	[sflag:s20] =	ssyncadd.s32 $0xFFFFF000  }
0x97: {  	_ =	swait.ge @!p0 [sflag:s6], $0x2000  }
0x98: {  	[sflag:s6] =	ssyncset.done @!p0 $0x0  }
0x99: {  	[sflag:s6] =	ssyncadd.s32 @!p0 $0xFFFFE000  }
0x9a: {  	v4 =	vld.idx.msk [tilespmem:v4+s15+$0x0], $0xffff;
	_ =	sdelay $0x4  }
0x9b: {  	v4 =	vtrunc.f32 v4  }
0x9c: {  	v4 =	vcvt.f32.s32 v4;
	_ =	sdelay $0x1  }
0x9d: {  	vm15 =	vgt.s32 v4, $0x0  }
0x9e: {  	v4 =	vnsel vm15, $0x0, v4  }
0x9f: {  	s6 =	simm.s32 $0x10A30;
	v4 =	vmin.u32 v4, $0x3E7  }
0xa0: {  	v5 =	vld [tilespmem:s6+$0xFFFFFFD0];
	v4 =	vshll.u32 v4, $0x6  }
0xa1: {  	v6 =	vor.u32 v0, v4;
	_ =	sdelay $0x2  }
0xa2: {  	s12 =	simm.s32 $0x15A70  }
0xa3: {  	[tilespmem:s12+$0xFFFFFF90] =	vst v5  }
0xa4: {  	v5 =	vld.idx.msk [tilespmem:v6+s3+$0x0], $0xffff;
	_ =	sdelay $0x4  }
0xa5: {  	[tilespmem:s12+$0xFFFFFFD0] =	vst v5  }
0xa6: {  	v5 =	vld [tilespmem:s6+$0xFFFFFFE0]  }
0xa7: {  	v6 =	vor.u32 v1, v4;
	_ =	sdelay $0x3  }
0xa8: {  	[tilespmem:s12+$0xFFFFFFA0] =	vst v5  }
0xa9: {  	v5 =	vld.idx.msk [tilespmem:v6+s3+$0x0], $0xffff;
	_ =	sdelay $0x4  }
0xaa: {  	[tilespmem:s12+$0xFFFFFFE0] =	vst v5  }
0xab: {  	v5 =	vld [tilespmem:s6+$0xFFFFFFF0]  }
0xac: {  	v6 =	vor.u32 v2, v4;
	_ =	sdelay $0x3  }
0xad: {  	[tilespmem:s12+$0xFFFFFFB0] =	vst v5  }
0xae: {  	v5 =	vld.idx.msk [tilespmem:v6+s3+$0x0], $0xffff;
	_ =	sdelay $0x4  }
0xaf: {  	[tilespmem:s12+$0xFFFFFFF0] =	vst v5  }
0xb0: {  	v5 =	vld [tilespmem:s6+$0x0]  }
0xb1: {  	v4 =	vor.u32 v3, v4;
	_ =	sdelay $0x1  }
0xb2: {  	s16 =	simm.s32 $0x40  }
0xb3: {  	v6 =	vmov s16  }
0xb4: {  	v6 =	vor.u32 $0x2, v6;
	[tilespmem:s12+$0xFFFFFFC0] =	vst v5  }
0xb5: {  	s30 =	simm.s32 $0x2;
	v5 =	vld.idx.msk [tilespmem:v4+s3+$0x0], $0xffff;
	v4 =	vbroadcast v6, $0x0  }
.LBB2_5:
0xb6: {  	_ =	sdelay $0x2  }
0xb7: {  	s6 =	sadd.s32 $0x40, s6  }
0xb8: {  	s29 =	smov.u32 s30;
	s16 =	sadd.s32 $0x1, s30;
	[tilespmem:s12+$0x0] =	vst v5;
	s12 =	sadd.s32 $0x80, s12  }
0xb9: {  	p1 =	sne.s32 s30, $0x3F;
	v4 =	vld.idx.msk [tilespmem:v4+s15+$0x0], $0xffff;
	_ =	sdelay $0x5  }
0xba: {  	v4 =	vtrunc.f32 v4  }
0xbb: {  	v4 =	vcvt.f32.s32 v4;
	_ =	sdelay $0x1  }
0xbc: {  	vm0 =	vgt.s32 v4, $0x0  }
0xbd: {  	v4 =	vnsel vm0, $0x0, v4  }
0xbe: {  	v4 =	vmin.u32 v4, $0x3E7  }
0xbf: {  	v4 =	vshll.u32 v4, $0x6;
	v5 =	vld [tilespmem:s6+$0xFFFFFFD0]  }
0xc0: {  	v6 =	vor.u32 v0, v4;
	_ =	sdelay $0x3  }
0xc1: {  	[tilespmem:s12+$0xFFFFFF90] =	vst v5  }
0xc2: {  	v5 =	vld.idx.msk [tilespmem:v6+s3+$0x0], $0xffff;
	_ =	sdelay $0x5  }
0xc3: {  	[tilespmem:s12+$0xFFFFFFD0] =	vst v5  }
0xc4: {  	v5 =	vld [tilespmem:s6+$0xFFFFFFE0]  }
0xc5: {  	v6 =	vor.u32 v1, v4;
	_ =	sdelay $0x3  }
0xc6: {  	[tilespmem:s12+$0xFFFFFFA0] =	vst v5  }
0xc7: {  	v5 =	vld.idx.msk [tilespmem:v6+s3+$0x0], $0xffff;
	_ =	sdelay $0x5  }
0xc8: {  	[tilespmem:s12+$0xFFFFFFE0] =	vst v5  }
0xc9: {  	v5 =	vld [tilespmem:s6+$0xFFFFFFF0]  }
0xca: {  	v6 =	vor.u32 v2, v4;
	_ =	sdelay $0x3  }
0xcb: {  	[tilespmem:s12+$0xFFFFFFB0] =	vst v5  }
0xcc: {  	v5 =	vld.idx.msk [tilespmem:v6+s3+$0x0], $0xffff;
	_ =	sdelay $0x5  }
0xcd: {  	[tilespmem:s12+$0xFFFFFFF0] =	vst v5  }
0xce: {  	v5 =	vld [tilespmem:s6+$0x0]  }
0xcf: {  	v4 =	vor.u32 v3, v4;
	_ =	sdelay $0x1  }
.Ltmp3:
0xd0: {  	(pc) =	sbr.rel @p1 .LBB2_5-.Ltmp3, $4  }
0xd1: {  	s29 =	sshll.u32 s29, $0x6  }
0xd2: {  	v6 =	vmov s29;
	[tilespmem:s12+$0xFFFFFFC0] =	vst v5  }
0xd3: {  	v6 =	vor.u32 $0x2, v6;
	v5 =	vld.idx.msk [tilespmem:v4+s3+$0x0], $0xffff  }
0xd4: {  	s30 =	smov.u32 s16;
	v4 =	vbroadcast v6, $0x0  }
0xd5: {  	_ =	sdelay $0x3  }
0xd6: {  	[tilespmem:s12+$0x0] =	vst v5  }
0xd7: {  	v4 =	vld.idx.msk [tilespmem:v4+s15+$0x0], $0xffff;
	_ =	sdelay $0x4  }
0xd8: {  	v4 =	vtrunc.f32 v4  }
0xd9: {  	v4 =	vcvt.f32.s32 v4;
	_ =	sdelay $0x1  }
0xda: {  	vm0 =	vgt.s32 v4, $0x0  }
0xdb: {  	v4 =	vnsel vm0, $0x0, v4  }
0xdc: {  	s6 =	sadd.s32 $0x40, s6;
	v4 =	vmin.u32 v4, $0x3E7  }
0xdd: {  	v5 =	vld [tilespmem:s6+$0xFFFFFFD0];
	v4 =	vshll.u32 v4, $0x6  }
0xde: {  	v6 =	vor.u32 v0, v4;
	_ =	sdelay $0x2  }
0xdf: {  	s16 =	sadd.s32 $0x80, s12  }
0xe0: {  	[tilespmem:s16+$0xFFFFFF90] =	vst v5  }
0xe1: {  	v5 =	vld.idx.msk [tilespmem:v6+s3+$0x0], $0xffff;
	_ =	sdelay $0x4  }
0xe2: {  	[tilespmem:s16+$0xFFFFFFD0] =	vst v5  }
0xe3: {  	v5 =	vld [tilespmem:s6+$0xFFFFFFE0]  }
0xe4: {  	v6 =	vor.u32 v1, v4;
	_ =	sdelay $0x3  }
0xe5: {  	[tilespmem:s16+$0xFFFFFFA0] =	vst v5  }
0xe6: {  	v5 =	vld.idx.msk [tilespmem:v6+s3+$0x0], $0xffff;
	_ =	sdelay $0x4  }
0xe7: {  	[tilespmem:s16+$0xFFFFFFE0] =	vst v5  }
0xe8: {  	v5 =	vld [tilespmem:s6+$0xFFFFFFF0]  }
0xe9: {  	v6 =	vor.u32 v2, v4;
	_ =	sdelay $0x3  }
0xea: {  	[tilespmem:s16+$0xFFFFFFB0] =	vst v5  }
0xeb: {  	v5 =	vld.idx.msk [tilespmem:v6+s3+$0x0], $0xffff;
	_ =	sdelay $0x4  }
0xec: {  	[tilespmem:s16+$0xFFFFFFF0] =	vst v5  }
0xed: {  	v5 =	vld [tilespmem:s6+$0x0]  }
0xee: {  	v4 =	vor.u32 v3, v4;
	_ =	sdelay $0x3  }
0xef: {  	[tilespmem:s16+$0xFFFFFFC0] =	vst v5  }
0xf0: {  	v4 =	vld.idx.msk [tilespmem:v4+s3+$0x0], $0xffff;
	_ =	sdelay $0x3  }
0xf1: {  	s31 =	sshll.u32 s1, $0xC;
	s7 =	sor.u32 $0x3, s7  }
0xf2: {  	s12 =	sshll.u32 s7, $0xC;
	s6 =	sadd.s32 s13, s31;
	[tilespmem:s16+$0x0] =	vst v4  }
0xf3: {  	[hbm4b:s6+s3] =	stream.linear.scatter [tilespmem:s21], [sflag:$0x7], $0x2000, $0x38;
	[tilespmem:$0x1BA00] =	vst v63  }
0xf4: {  	s6 =	sadd.s32 s5, s12  }
0xf5: {  	s16 =	simm.s32 $0x0;
	s6 =	sshrl.u32 s6, $0x3  }
0xf6: {  	v4 =	vmov s16;
	s6 =	sadd.s32 s4, s6  }
0xf7: {  	v4 =	vor.u32 $0x2, v4;
	[tilespmem:s22], [sflag:$0x5] =	stream.linear.gather [hbm4b:s6+s3], $0x1000, $0x38;
	[tilespmem:$0x1BA00] =	vst v63  }
0xf8: {  	v4 =	vbroadcast v4, $0x0;
	_ =	swait.ge [sflag:s23], $0x1000  }
0xf9: {  	[sflag:s23] =	ssyncset.done $0x0  }
0xfa: {  	s6 =	simm.s32 @!p0 $0x8;
	[sflag:s23] =	ssyncadd.s32 $0xFFFFF000  }
0xfb: {  	_ =	swait.ge @!p0 [sflag:s6], $0x2000  }
0xfc: {  	[sflag:s6] =	ssyncset.done @!p0 $0x0  }
0xfd: {  	[sflag:s6] =	ssyncadd.s32 @!p0 $0xFFFFE000  }
0xfe: {  	v4 =	vld.idx.msk [tilespmem:v4+s19+$0x0], $0xffff;
	_ =	sdelay $0x4  }
0xff: {  	v4 =	vtrunc.f32 v4  }
0x100: {  	v4 =	vcvt.f32.s32 v4;
	_ =	sdelay $0x1  }
0x101: {  	vm15 =	vgt.s32 v4, $0x0  }
0x102: {  	v4 =	vnsel vm15, $0x0, v4  }
0x103: {  	s12 =	simm.s32 $0x11A30;
	v4 =	vmin.u32 v4, $0x3E7  }
0x104: {  	v5 =	vld [tilespmem:s12+$0xFFFFFFD0];
	v4 =	vshll.u32 v4, $0x6  }
0x105: {  	v6 =	vor.u32 v0, v4;
	_ =	sdelay $0x2  }
0x106: {  	s30 =	simm.s32 $0x0  }
0x107: {  	[tilespmem:s30+$0x17A00] =	vst v5  }
0x108: {  	v5 =	vld.idx.msk [tilespmem:v6+s3+$0x0], $0xffff;
	_ =	sdelay $0x4  }
0x109: {  	[tilespmem:s30+$0x17A40] =	vst v5  }
0x10a: {  	v5 =	vld [tilespmem:s12+$0xFFFFFFE0]  }
0x10b: {  	v6 =	vor.u32 v1, v4;
	_ =	sdelay $0x3  }
0x10c: {  	[tilespmem:s30+$0x17A10] =	vst v5  }
0x10d: {  	v5 =	vld.idx.msk [tilespmem:v6+s3+$0x0], $0xffff;
	_ =	sdelay $0x4  }
0x10e: {  	[tilespmem:s30+$0x17A50] =	vst v5  }
0x10f: {  	v5 =	vld [tilespmem:s12+$0xFFFFFFF0]  }
0x110: {  	v6 =	vor.u32 v2, v4;
	_ =	sdelay $0x3  }
0x111: {  	[tilespmem:s30+$0x17A20] =	vst v5  }
0x112: {  	v5 =	vld.idx.msk [tilespmem:v6+s3+$0x0], $0xffff;
	_ =	sdelay $0x4  }
0x113: {  	[tilespmem:s30+$0x17A60] =	vst v5  }
0x114: {  	v5 =	vld [tilespmem:s12+$0x0]  }
0x115: {  	v4 =	vor.u32 v3, v4;
	_ =	sdelay $0x1  }
0x116: {  	s31 =	simm.s32 $0x40  }
0x117: {  	v6 =	vmov s31  }
0x118: {  	v6 =	vor.u32 $0x2, v6;
	[tilespmem:s30+$0x17A30] =	vst v5  }
0x119: {  	s29 =	simm.s32 $0x1;
	s16 =	simm.s32 $0x400;
	s6 =	simm.s32 $0x200;
	v5 =	vld.idx.msk [tilespmem:v4+s3+$0x0], $0xffff;
	v4 =	vbroadcast v6, $0x0  }
.LBB2_7:
0x11a: {  	_ =	sdelay $0x2  }
0x11b: {  	p1 =	sne.s32 s16, $0x7E00  }
0x11c: {  	s12 =	sadd.s32 $0x40, s12;
	s31 =	smov.u32 s16;
	s16 =	sadd.s32 $0x200, s16;
	[tilespmem:s30+$0x17A70] =	vst v5  }
0x11d: {  	v4 =	vld.idx.msk [tilespmem:v4+s19+$0x0], $0xffff;
	_ =	sdelay $0x5  }
0x11e: {  	v4 =	vtrunc.f32 v4  }
0x11f: {  	v4 =	vcvt.f32.s32 v4;
	_ =	sdelay $0x1  }
0x120: {  	vm0 =	vgt.s32 v4, $0x0  }
0x121: {  	v4 =	vnsel vm0, $0x0, v4  }
0x122: {  	v4 =	vmin.u32 v4, $0x3E7  }
0x123: {  	v4 =	vshll.u32 v4, $0x6;
	v5 =	vld [tilespmem:s12+$0xFFFFFFD0]  }
0x124: {  	v6 =	vor.u32 v0, v4;
	_ =	sdelay $0x2  }
0x125: {  	s30 =	sshra.s32 s6, $0x2;
	s6 =	smov.u32 s31  }
0x126: {  	[tilespmem:s30+$0x17A00] =	vst v5  }
0x127: {  	v5 =	vld.idx.msk [tilespmem:v6+s3+$0x0], $0xffff;
	_ =	sdelay $0x5  }
0x128: {  	[tilespmem:s30+$0x17A40] =	vst v5  }
0x129: {  	v5 =	vld [tilespmem:s12+$0xFFFFFFE0]  }
0x12a: {  	v6 =	vor.u32 v1, v4;
	_ =	sdelay $0x3  }
0x12b: {  	[tilespmem:s30+$0x17A10] =	vst v5  }
0x12c: {  	v5 =	vld.idx.msk [tilespmem:v6+s3+$0x0], $0xffff;
	_ =	sdelay $0x5  }
0x12d: {  	[tilespmem:s30+$0x17A50] =	vst v5  }
0x12e: {  	v5 =	vld [tilespmem:s12+$0xFFFFFFF0]  }
0x12f: {  	v6 =	vor.u32 v2, v4;
	_ =	sdelay $0x3  }
0x130: {  	[tilespmem:s30+$0x17A20] =	vst v5  }
0x131: {  	v5 =	vld.idx.msk [tilespmem:v6+s3+$0x0], $0xffff;
	_ =	sdelay $0x5  }
0x132: {  	[tilespmem:s30+$0x17A60] =	vst v5  }
0x133: {  	v5 =	vld [tilespmem:s12+$0x0]  }
0x134: {  	v4 =	vor.u32 v3, v4;
	_ =	sdelay $0x1  }
.Ltmp4:
0x135: {  	s29 =	sadd.s32 $0x1, s29;
	(pc) =	sbr.rel @p1 .LBB2_7-.Ltmp4, $4  }
0x136: {  	s31 =	sshll.u32 s29, $0x6  }
0x137: {  	v6 =	vmov s31;
	[tilespmem:s30+$0x17A30] =	vst v5  }
0x138: {  	v6 =	vor.u32 $0x2, v6;
	v5 =	vld.idx.msk [tilespmem:v4+s3+$0x0], $0xffff  }
0x139: {  	v4 =	vbroadcast v6, $0x0  }
0x13a: {  	_ =	sdelay $0x3  }
0x13b: {  	[tilespmem:s30+$0x17A70] =	vst v5  }
0x13c: {  	v4 =	vld.idx.msk [tilespmem:v4+s19+$0x0], $0xffff;
	_ =	sdelay $0x4  }
0x13d: {  	v4 =	vtrunc.f32 v4  }
0x13e: {  	v4 =	vcvt.f32.s32 v4;
	_ =	sdelay $0x1  }
0x13f: {  	vm0 =	vgt.s32 v4, $0x0  }
0x140: {  	v4 =	vnsel vm0, $0x0, v4  }
0x141: {  	s12 =	sadd.s32 $0x40, s12;
	v4 =	vmin.u32 v4, $0x3E7  }
0x142: {  	v5 =	vld [tilespmem:s12+$0xFFFFFFD0];
	v4 =	vshll.u32 v4, $0x6  }
0x143: {  	v6 =	vor.u32 v0, v4;
	_ =	sdelay $0x2  }
0x144: {  	s6 =	sshra.s32 s6, $0x2  }
0x145: {  	[tilespmem:s6+$0x17A00] =	vst v5  }
0x146: {  	v5 =	vld.idx.msk [tilespmem:v6+s3+$0x0], $0xffff;
	_ =	sdelay $0x4  }
0x147: {  	[tilespmem:s6+$0x17A40] =	vst v5  }
0x148: {  	v5 =	vld [tilespmem:s12+$0xFFFFFFE0]  }
0x149: {  	v62 =	vor.u32 v1, v4;
	_ =	sdelay $0x3  }
0x14a: {  	[tilespmem:s6+$0x17A10] =	vst v5  }
0x14b: {  	v5 =	vld.idx.msk [tilespmem:v62+s3+$0x0], $0xffff;
	_ =	sdelay $0x4  }
0x14c: {  	[tilespmem:s6+$0x17A50] =	vst v5  }
0x14d: {  	v5 =	vld [tilespmem:s12+$0xFFFFFFF0]  }
0x14e: {  	v63 =	vor.u32 v2, v4;
	_ =	sdelay $0x3  }
0x14f: {  	[tilespmem:s6+$0x17A20] =	vst v5  }
0x150: {  	v5 =	vld.idx.msk [tilespmem:v63+s3+$0x0], $0xffff;
	_ =	sdelay $0x4  }
0x151: {  	[tilespmem:s6+$0x17A60] =	vst v5  }
0x152: {  	v5 =	vld [tilespmem:s12+$0x0]  }
0x153: {  	v4 =	vor.u32 v3, v4;
	_ =	sdelay $0x3  }
0x154: {  	[tilespmem:s6+$0x17A30] =	vst v5  }
0x155: {  	v4 =	vld.idx.msk [tilespmem:v4+s3+$0x0], $0xffff  }
0x156: {  	p1 =	sne.s32 s1, $0x63  }
.Ltmp5:
0x157: {  	s8 =	sshll.u32 s8, $0xD;
	(pc) =	sbr.rel @p1 .LBB2_10-.Ltmp5, $4  }
0x158: {  	s8 =	sadd.s32 s9, s8  }
0x159: {  	s8 =	sshrl.u32 s8, $0x3  }
0x15a: {  	s31 =	sadd.s32 s2, s8;
	[tilespmem:s6+$0x17A70] =	vst v4  }
0x15b: {  	[hbm4b:s31+s3] =	stream.linear.scatter [tilespmem:s24], [sflag:$0x8], $0x2000, $0x38;
	[tilespmem:$0x1BA00] =	vst v63  }
.Ltmp6:
0x15c: {  	(pc) =	sbr.rel .LBB2_11-.Ltmp6, $4  }
0x15d: {  	_ = 	snop  }
0x15e: {  	_ =	swait.ge [sflag:s25], $0x1000  }
0x15f: {  	[sflag:s25] =	ssyncset.done $0x0  }
0x160: {  	[sflag:s25] =	ssyncadd.s32 $0xFFFFF000  }
.LBB2_10:
0x161: {  	s6 =	sshll.u32 s1, $0xE  }
0x162: {  	s6 =	sadd.s32 s6, s10  }
0x163: {  	s6 =	sshrl.u32 s6, $0x3  }
.Ltmp7:
0x164: {  	s6 =	sadd.s32 s4, s6;
	(pc) =	sbr.rel @p0 .LBB2_12-.Ltmp7, $4  }
0x165: {  	[tilespmem:s14], [sflag:$0x2] =	stream.linear.gather [hbm4b:s6+s3], $0x1000, $0x38;
	[tilespmem:$0x1BA00] =	vst v63  }
0x166: {  	_ =	swait.ge [sflag:s25], $0x1000  }
0x167: {  	[sflag:s25] =	ssyncset.done $0x0  }
0x168: {  	[sflag:s25] =	ssyncadd.s32 $0xFFFFF000  }
.LBB2_11:
0x169: {  	_ =	swait.ge [sflag:s26], $0x2000  }
0x16a: {  	[sflag:s26] =	ssyncset.done $0x0  }
0x16b: {  	[sflag:s26] =	ssyncadd.s32 $0xFFFFE000  }
.LBB2_12:
0x16c: {  	s6 =	simm.s32 $0x0  }
0x16d: {  	v4 =	vmov s6  }
0x16e: {  	v4 =	vor.u32 $0x2, v4  }
0x16f: {  	v4 =	vbroadcast v4, $0x0;
	_ =	sdelay $0x5  }
0x170: {  	v4 =	vld.idx.msk [tilespmem:v4+s22+$0x0], $0xffff;
	_ =	sdelay $0x4  }
0x171: {  	v4 =	vtrunc.f32 v4  }
0x172: {  	v4 =	vcvt.f32.s32 v4;
	_ =	sdelay $0x1  }
0x173: {  	vm0 =	vgt.s32 v4, $0x0  }
0x174: {  	v4 =	vnsel vm0, $0x0, v4  }
0x175: {  	s8 =	simm.s32 $0x12A30;
	v4 =	vmin.u32 v4, $0x3E7  }
0x176: {  	v5 =	vld [tilespmem:s8+$0xFFFFFFD0];
	v4 =	vshll.u32 v4, $0x6  }
0x177: {  	v6 =	vor.u32 v0, v4;
	_ =	sdelay $0x2  }
0x178: {  	s29 =	simm.s32 $0x0  }
0x179: {  	[tilespmem:s29+$0x19A00] =	vst v5  }
0x17a: {  	v5 =	vld.idx.msk [tilespmem:v6+s3+$0x0], $0xffff;
	_ =	sdelay $0x4  }
0x17b: {  	[tilespmem:s29+$0x19A40] =	vst v5  }
0x17c: {  	v5 =	vld [tilespmem:s8+$0xFFFFFFE0]  }
0x17d: {  	v6 =	vor.u32 v1, v4;
	_ =	sdelay $0x3  }
0x17e: {  	[tilespmem:s29+$0x19A10] =	vst v5  }
0x17f: {  	v5 =	vld.idx.msk [tilespmem:v6+s3+$0x0], $0xffff;
	_ =	sdelay $0x4  }
0x180: {  	[tilespmem:s29+$0x19A50] =	vst v5  }
0x181: {  	v5 =	vld [tilespmem:s8+$0xFFFFFFF0]  }
0x182: {  	v6 =	vor.u32 v2, v4;
	_ =	sdelay $0x3  }
0x183: {  	[tilespmem:s29+$0x19A20] =	vst v5  }
0x184: {  	v5 =	vld.idx.msk [tilespmem:v6+s3+$0x0], $0xffff;
	_ =	sdelay $0x4  }
0x185: {  	[tilespmem:s29+$0x19A60] =	vst v5  }
0x186: {  	v5 =	vld [tilespmem:s8+$0x0]  }
0x187: {  	v4 =	vor.u32 v3, v4;
	_ =	sdelay $0x1  }
0x188: {  	s31 =	simm.s32 $0x40  }
0x189: {  	v6 =	vmov s31  }
0x18a: {  	v6 =	vor.u32 $0x2, v6;
	[tilespmem:s29+$0x19A30] =	vst v5  }
0x18b: {  	s12 =	simm.s32 $0x400;
	s16 =	simm.s32 $0x1;
	s6 =	simm.s32 $0x200;
	v5 =	vld.idx.msk [tilespmem:v4+s3+$0x0], $0xffff;
	v4 =	vbroadcast v6, $0x0  }
.LBB2_13:
0x18c: {  	_ =	sdelay $0x2  }
0x18d: {  	p0 =	sne.s32 s12, $0x7E00  }
0x18e: {  	s8 =	sadd.s32 $0x40, s8;
	s30 =	smov.u32 s12;
	s12 =	sadd.s32 $0x200, s12;
	[tilespmem:s29+$0x19A70] =	vst v5  }
0x18f: {  	v4 =	vld.idx.msk [tilespmem:v4+s22+$0x0], $0xffff;
	_ =	sdelay $0x5  }
0x190: {  	v4 =	vtrunc.f32 v4  }
0x191: {  	v4 =	vcvt.f32.s32 v4;
	_ =	sdelay $0x1  }
0x192: {  	vm0 =	vgt.s32 v4, $0x0  }
0x193: {  	v4 =	vnsel vm0, $0x0, v4  }
0x194: {  	v4 =	vmin.u32 v4, $0x3E7  }
0x195: {  	v4 =	vshll.u32 v4, $0x6;
	v5 =	vld [tilespmem:s8+$0xFFFFFFD0]  }
0x196: {  	v6 =	vor.u32 v0, v4;
	_ =	sdelay $0x2  }
0x197: {  	s29 =	sshra.s32 s6, $0x2;
	s6 =	smov.u32 s30  }
0x198: {  	[tilespmem:s29+$0x19A00] =	vst v5  }
0x199: {  	v5 =	vld.idx.msk [tilespmem:v6+s3+$0x0], $0xffff;
	_ =	sdelay $0x5  }
0x19a: {  	[tilespmem:s29+$0x19A40] =	vst v5  }
0x19b: {  	v5 =	vld [tilespmem:s8+$0xFFFFFFE0]  }
0x19c: {  	v6 =	vor.u32 v1, v4;
	_ =	sdelay $0x3  }
0x19d: {  	[tilespmem:s29+$0x19A10] =	vst v5  }
0x19e: {  	v5 =	vld.idx.msk [tilespmem:v6+s3+$0x0], $0xffff;
	_ =	sdelay $0x5  }
0x19f: {  	[tilespmem:s29+$0x19A50] =	vst v5  }
0x1a0: {  	v5 =	vld [tilespmem:s8+$0xFFFFFFF0]  }
0x1a1: {  	v6 =	vor.u32 v2, v4;
	_ =	sdelay $0x3  }
0x1a2: {  	[tilespmem:s29+$0x19A20] =	vst v5  }
0x1a3: {  	v5 =	vld.idx.msk [tilespmem:v6+s3+$0x0], $0xffff;
	_ =	sdelay $0x5  }
0x1a4: {  	[tilespmem:s29+$0x19A60] =	vst v5  }
0x1a5: {  	v5 =	vld [tilespmem:s8+$0x0]  }
0x1a6: {  	v4 =	vor.u32 v3, v4;
	_ =	sdelay $0x1  }
.Ltmp8:
0x1a7: {  	s16 =	sadd.s32 $0x1, s16;
	(pc) =	sbr.rel @p0 .LBB2_13-.Ltmp8, $4  }
0x1a8: {  	s30 =	sshll.u32 s16, $0x6  }
0x1a9: {  	v6 =	vmov s30;
	[tilespmem:s29+$0x19A30] =	vst v5  }
0x1aa: {  	v6 =	vor.u32 $0x2, v6;
	v5 =	vld.idx.msk [tilespmem:v4+s3+$0x0], $0xffff  }
0x1ab: {  	v4 =	vbroadcast v6, $0x0  }
0x1ac: {  	_ =	sdelay $0x3  }
0x1ad: {  	[tilespmem:s29+$0x19A70] =	vst v5  }
0x1ae: {  	v4 =	vld.idx.msk [tilespmem:v4+s22+$0x0], $0xffff;
	_ =	sdelay $0x4  }
0x1af: {  	v4 =	vtrunc.f32 v4  }
0x1b0: {  	v4 =	vcvt.f32.s32 v4;
	_ =	sdelay $0x1  }
0x1b1: {  	vm0 =	vgt.s32 v4, $0x0  }
0x1b2: {  	v4 =	vnsel vm0, $0x0, v4  }
0x1b3: {  	s8 =	sadd.s32 $0x40, s8;
	v4 =	vmin.u32 v4, $0x3E7  }
0x1b4: {  	v5 =	vld [tilespmem:s8+$0xFFFFFFD0];
	v4 =	vshll.u32 v4, $0x6  }
0x1b5: {  	v6 =	vor.u32 v0, v4;
	_ =	sdelay $0x2  }
0x1b6: {  	s6 =	sshra.s32 s6, $0x2  }
0x1b7: {  	[tilespmem:s6+$0x19A00] =	vst v5  }
0x1b8: {  	v5 =	vld.idx.msk [tilespmem:v6+s3+$0x0], $0xffff;
	_ =	sdelay $0x4  }
0x1b9: {  	[tilespmem:s6+$0x19A40] =	vst v5  }
0x1ba: {  	v5 =	vld [tilespmem:s8+$0xFFFFFFE0]  }
0x1bb: {  	v62 =	vor.u32 v1, v4;
	_ =	sdelay $0x3  }
0x1bc: {  	[tilespmem:s6+$0x19A10] =	vst v5  }
0x1bd: {  	v5 =	vld.idx.msk [tilespmem:v62+s3+$0x0], $0xffff;
	_ =	sdelay $0x4  }
0x1be: {  	[tilespmem:s6+$0x19A50] =	vst v5  }
0x1bf: {  	v5 =	vld [tilespmem:s8+$0xFFFFFFF0]  }
0x1c0: {  	v63 =	vor.u32 v2, v4;
	_ =	sdelay $0x3  }
0x1c1: {  	[tilespmem:s6+$0x19A20] =	vst v5  }
0x1c2: {  	v5 =	vld.idx.msk [tilespmem:v63+s3+$0x0], $0xffff;
	_ =	sdelay $0x4  }
0x1c3: {  	[tilespmem:s6+$0x19A60] =	vst v5  }
0x1c4: {  	v5 =	vld [tilespmem:s8+$0x0]  }
0x1c5: {  	v4 =	vor.u32 v3, v4;
	_ =	sdelay $0x3  }
0x1c6: {  	[tilespmem:s6+$0x19A30] =	vst v5  }
0x1c7: {  	v4 =	vld.idx.msk [tilespmem:v4+s3+$0x0], $0xffff  }
0x1c8: {  	p0 =	seq.s32 s1, $0x63  }
.Ltmp9:
0x1c9: {  	s7 =	sshll.u32 s7, $0xD;
	(pc) =	sbr.rel @p0 .LBB2_16-.Ltmp9, $4  }
0x1ca: {  	s7 =	sadd.s32 s9, s7  }
0x1cb: {  	s7 =	sshrl.u32 s7, $0x3  }
0x1cc: {  	s31 =	sadd.s32 s2, s7;
	[tilespmem:s6+$0x19A70] =	vst v4  }
0x1cd: {  	[hbm4b:s31+s3] =	stream.linear.scatter [tilespmem:s28], [sflag:$0x9], $0x2000, $0x38;
	[tilespmem:$0x1BA00] =	vst v63  }
.Ltmp10:
0x1ce: {  	s6 =	sshll.u32 s1, $0xE;
	(pc) =	sbr.rel .LBB2_2-.Ltmp10, $4  }
0x1cf: {  	s6 =	sadd.s32 s6, s11  }
0x1d0: {  	s6 =	sshrl.u32 s6, $0x3  }
0x1d1: {  	s1 =	sadd.s32 $0x1, s1;
	s6 =	sadd.s32 s4, s6  }
0x1d2: {  	[tilespmem:s15], [sflag:$0x3] =	stream.linear.gather [hbm4b:s6+s3], $0x1000, $0x38;
	[tilespmem:$0x1BA00] =	vst v63  }
.LBB2_17:
0x1d3: {  	_ =	sfence.sel $0x180000  }
0x1d4: {  	[bflag:$0x0] =	sbarrier.arrive $0xFFFF  }
0x1d5: {  	_ =	strace $0x90000047  }
0x1d6: {  	s0 =	stileid.u32;
	[bflag:$0x2] =	sbarrier.arrive $0xFFFF  }
0x1d7: {  	p0 =	sne.s32 s0, $0x0;
	s0 =	rddreg [dreg:$0x2]  }
0x1d8: {  	s0 =	sadd.s32 @!p0 $0x100000, s0  }
0x1d9: {  	[sflag:s0] =	ssyncadd.tile.s32 @!p0 $0x1;
	_ =	shalt  }
.Lfunc_end2:
_tile_overlayer_lowered:
.L_overlay_start_2:
0x1da: {  	(tag) =	ssettag $0x2  }
0x1db: {  	s0 =	rddreg [dreg:$0x0];
	s2 =	stileid.u32  }
0x1dc: {  	s1 =	rddreg [dreg:$0x1];
	p0 =	sne.s32 s2, $0x0  }
0x1dd: {  	s3 =	rddreg [dreg:$0x2];
	[bflag:$0x3] =	sbarrier.arrive $0xFFFF;
	s2 =	simm.s32 @!p0 $0x1C0A  }
0x1de: {  	[timem:s3], [sflag:s2] =	dma.local @!p0 [hbm:s0], s1  }
0x1df: {  	s0 =	simm.s32 @!p0 $0xA  }
0x1e0: {  	_ =	swait.ge @!p0 [sflag:s0], s1  }
0x1e1: {  	s1 =	ssub.s32 @!p0 $0x0, s1;
	[sflag:s0] =	ssyncset.done @!p0 $0x0  }
0x1e2: {  	[sflag:s0] =	ssyncadd.s32 @!p0 s1  }
0x1e3: {  	[bflag:$0x3] =	sbarrier.arrive $0xFFFF  }
0x1e4: {  	_ =	shalt  }

</sc_bundles>
